<compile_context>
chip_gen: v7x
topology: tpu7x:2x2x1
jax: 0.10.2.dev20260603
libtpu: 0.0.44.dev20260713+nightly
codegen_flags: <defaults>
</compile_context>

<pallas_src>
import functools

import jax
import jax.numpy as jnp
from jax import lax
from jax.experimental import pallas as pl
from jax.experimental.pallas import tpu as pltpu
from jax.experimental.pallas import tpu_sc as plsc

B, L, D = 4, 8192, 768
BUCKET = 8
PAD = BUCKET // 2
G = B

PBLK = 256
CBLK = 512
LP = L + CBLK

NC, NS = 2, 16
NW = NC * NS
SPAN = G * L // NW
CH = 128
NCHUNK = SPAN // CH

_mesh = plsc.VectorSubcoreMesh(core_axis_name="c", subcore_axis_name="s")


def _rank_body(kp_ref, kq_ref, out_ref):
    i = pl.program_id(1)
    kp = kp_ref[0]
    ip = lax.broadcasted_iota(jnp.int32, (1, PBLK), 1) + i * PBLK
    kq = kq_ref[0]
    iq = lax.broadcasted_iota(jnp.int32, (L, 1), 0)
    less = (kq < kp) | ((kq == kp) & (iq < ip))
    cnt = jnp.sum(less.astype(jnp.float32), axis=0, keepdims=True)
    out_ref[0] = cnt.astype(jnp.int32)


def _rank(keys):
    return pl.pallas_call(
        _rank_body,
        grid=(G, L // PBLK),
        in_specs=[
            pl.BlockSpec((1, 1, PBLK), lambda r, i: (r, 0, i)),
            pl.BlockSpec((1, L, 1), lambda r, i: (r, 0, 0)),
        ],
        out_specs=pl.BlockSpec((1, 1, PBLK), lambda r, i: (r, 0, i)),
        out_shape=jax.ShapeDtypeStruct((G, 1, L), jnp.int32),
    )(keys.reshape(G, 1, L), keys.reshape(G, L, 1)).reshape(G, L)


@functools.partial(
    pl.kernel, mesh=_mesh,
    out_type=jax.ShapeDtypeStruct((G * LP, D), jnp.float32),
    scratch_types=[
        pltpu.VMEM((CH,), jnp.int32),
        pltpu.VMEM((CH, D), jnp.float32),
        pltpu.SemaphoreType.DMA,
    ],
)
def _sc_scatter(x_hbm, rankp_hbm, out_hbm, idx_v, rows_v, sem):
    w = lax.axis_index("s") * NC + lax.axis_index("c")
    base = w * SPAN

    def body(j, _):
        p0 = base + j * CH
        pltpu.sync_copy(rankp_hbm.at[pl.ds(p0, CH)], idx_v)
        pltpu.sync_copy(x_hbm.at[pl.ds(p0, CH), :], rows_v)
        pltpu.async_copy(rows_v, out_hbm.at[idx_v], sem).wait()
        return ()

    lax.fori_loop(0, NCHUNK, body, ())


@functools.partial(
    pl.kernel, mesh=_mesh,
    out_type=jax.ShapeDtypeStruct((G * L, D), jnp.float32),
    scratch_types=[
        pltpu.VMEM((CH,), jnp.int32),
        pltpu.VMEM((CH, D), jnp.float32),
        pltpu.SemaphoreType.DMA,
    ],
)
def _sc_gather(h_hbm, rankg_hbm, out_hbm, idx_v, rows_v, sem):
    w = lax.axis_index("s") * NC + lax.axis_index("c")
    base = w * SPAN

    def body(j, _):
        p0 = base + j * CH
        pltpu.sync_copy(rankg_hbm.at[pl.ds(p0, CH)], idx_v)
        pltpu.async_copy(h_hbm.at[idx_v], rows_v, sem).wait()
        pltpu.sync_copy(rows_v, out_hbm.at[pl.ds(p0, CH), :])
        return ()

    lax.fori_loop(0, NCHUNK, body, ())


def _conv_body(a_ref, b_ref, w_ref, out_ref):
    i = pl.program_id(1)
    xcat = jnp.concatenate([a_ref[0], b_ref[0]], axis=0)
    rowid = lax.broadcasted_iota(jnp.int32, (CBLK, 1), 0) + i * CBLK
    acc = None
    for t in range(BUCKET):
        m = rowid + t
        valid = (m >= PAD) & (m < L + PAD)
        sl = jnp.where(valid, xcat[t:t + CBLK], 0.0)
        term = sl * w_ref[0, t, :][None, :]
        acc = term if acc is None else acc + term
    out_ref[0] = acc


def _conv(xpad, w8):
    return pl.pallas_call(
        _conv_body,
        grid=(G, L // CBLK),
        in_specs=[
            pl.BlockSpec((1, CBLK, D), lambda r, i: (r, i, 0)),
            pl.BlockSpec((1, CBLK, D), lambda r, i: (r, i + 1, 0)),
            pl.BlockSpec((1, BUCKET, D), lambda r, i: (0, 0, 0)),
        ],
        out_specs=pl.BlockSpec((1, CBLK, D), lambda r, i: (r, i, 0)),
        out_shape=jax.ShapeDtypeStruct((G, L, D), jnp.float32),
    )(xpad, xpad, w8)


def _finale_body(x_ref, g0_ref, g1_ref, w1t_ref, w2t_ref, ksum_ref, gamma_ref,
                 beta_ref, out_ref):
    x = x_ref[...]
    routed = (g0_ref[...] + g1_ref[...]) * 0.5
    logits = jnp.dot(x.astype(jnp.bfloat16), w1t_ref[...],
                     preferred_element_type=jnp.float32)
    logits += jnp.dot(routed.astype(jnp.bfloat16), w2t_ref[...],
                      preferred_element_type=jnp.float32)
    gate = jax.nn.sigmoid(logits + ksum_ref[...])
    y = x + gate * routed
    mean = jnp.mean(y, axis=-1, keepdims=True)
    yc = y - mean
    var = jnp.mean(yc * yc, axis=-1, keepdims=True)
    out_ref[...] = gamma_ref[...] * yc * lax.rsqrt(var + 1e-5) + beta_ref[...]


def _finale(x2d, g0, g1, w1t, w2t, ksum, gamma, beta):
    n = x2d.shape[0]
    blk = 1024
    return pl.pallas_call(
        _finale_body,
        grid=(n // blk,),
        in_specs=[
            pl.BlockSpec((blk, D), lambda i: (i, 0)),
            pl.BlockSpec((blk, D), lambda i: (i, 0)),
            pl.BlockSpec((blk, D), lambda i: (i, 0)),
            pl.BlockSpec((D, D), lambda i: (0, 0)),
            pl.BlockSpec((D, D), lambda i: (0, 0)),
            pl.BlockSpec((blk, 1), lambda i: (i, 0)),
            pl.BlockSpec((1, D), lambda i: (0, 0)),
            pl.BlockSpec((1, D), lambda i: (0, 0)),
        ],
        out_specs=pl.BlockSpec((blk, D), lambda i: (i, 0)),
        out_shape=jax.ShapeDtypeStruct((n, D), jnp.float32),
    )(x2d, g0, g1, w1t, w2t, ksum, gamma, beta)


def kernel(x, W_route, conv_w0, conv_w1, W_gate, ln_gamma, ln_beta):
    route_keys = x @ W_route.T
    x_flat = x.reshape(B * L, D)
    goff = jnp.arange(G, dtype=jnp.int32)[:, None]

    keys = [route_keys[:, :, 0], route_keys[:, :, 1]]
    conv_ws = [conv_w0[:, 0, :].T[None], conv_w1[:, 0, :].T[None]]

    g_out = []
    for r in range(2):
        rank = _rank(keys[r])
        rankp = (rank + PAD + goff * LP).reshape(G * L)
        rankg = (rank + goff * L).reshape(G * L)
        xpad = _sc_scatter(x_flat, rankp).reshape(G, LP, D)
        h = _conv(xpad, conv_ws[r])
        g_out.append(_sc_gather(h.reshape(G * L, D), rankg))

    ksum = jnp.sum(route_keys, axis=-1).reshape(B * L, 1)
    out = _finale(
        x_flat,
        g_out[0],
        g_out[1],
        W_gate[:, :D].T.astype(jnp.bfloat16),
        W_gate[:, D:].T.astype(jnp.bfloat16),
        ksum,
        ln_gamma.reshape(1, D),
        ln_beta.reshape(1, D),
    )
    return out.reshape(B, L, D)

# --- scband reference (transcript-rebuilt; emitter-appended) ---
"""Pipeline reference for scband-sparse-routing-30434138259773 (READ-ONLY COPY).

The authoritative reference and input builder live on the scoring server;
editing this copy changes nothing except your own understanding.
"""

import jax, jax.numpy as jnp
import numpy as np

B, L, D = 4, 8192, 768
BUCKET = 8
N_ROUTES = 2


def setup_inputs(seed: int = 0) -> dict:
    key = jax.random.key(seed)
    ks = jax.random.split(key, 7)
    x = jax.random.normal(ks[0], (B, L, D), dtype=jnp.float32)
    W_route = jax.random.normal(ks[1], (N_ROUTES, D), dtype=jnp.float32) * 0.02
    conv_w0 = jax.random.normal(ks[2], (D, 1, BUCKET), dtype=jnp.float32) * 0.1
    conv_w1 = jax.random.normal(ks[3], (D, 1, BUCKET), dtype=jnp.float32) * 0.1
    W_gate = jax.random.normal(ks[4], (D, 2 * D), dtype=jnp.float32) * 0.02
    ln_gamma = jnp.ones((D,), dtype=jnp.float32)
    ln_beta = jnp.zeros((D,), dtype=jnp.float32)
    return {"x": x, "W_route": W_route, "conv_w0": conv_w0, "conv_w1": conv_w1,
            "W_gate": W_gate, "ln_gamma": ln_gamma, "ln_beta": ln_beta}


def _route_and_exchange(x, keys_r, conv_w):
    # sort cells by scalar route key
    sort_idx = jnp.argsort(keys_r, axis=1)
    unsort_idx = jnp.argsort(sort_idx, axis=1)
    x_sorted = jnp.take_along_axis(x, sort_idx[:, :, None], axis=1)
    # depthwise conv over sorted order (torch Conv1d: k=BUCKET, pad=BUCKET//2 -> length L+1)
    h = jnp.transpose(x_sorted, (0, 2, 1))
    h_ex = jax.lax.conv_general_dilated(
        h, conv_w, window_strides=(1,), padding=[(BUCKET // 2, BUCKET // 2)],
        feature_group_count=D, dimension_numbers=("NCH", "OIH", "NCH"))
    h_ex = jnp.transpose(h_ex, (0, 2, 1))  # (B, L+1, D); gather uses only first L rows' worth of indices
    return jnp.take_along_axis(h_ex, unsort_idx[:, :, None], axis=1)


def reference(x, W_route, conv_w0, conv_w1, W_gate, ln_gamma, ln_beta):
    route_keys = x @ W_route.T  # (B, L, n_routes)
    routed = _route_and_exchange(x, route_keys[:, :, 0], conv_w0) \
           + _route_and_exchange(x, route_keys[:, :, 1], conv_w1)
    routed = routed / N_ROUTES
    cat = jnp.concatenate([x, routed], axis=-1)
    gate = jax.nn.sigmoid(cat @ W_gate.T + jnp.sum(route_keys, axis=-1, keepdims=True))
    y = x + gate * routed
    mean = jnp.mean(y, axis=-1, keepdims=True)
    var = jnp.mean((y - mean) ** 2, axis=-1, keepdims=True)
    return ln_gamma * (y - mean) / jnp.sqrt(var + 1e-5) + ln_beta

if __name__ == "__main__":
    import jax
    _d = setup_inputs()
    print(jax.jit(kernel)(*tuple(_d.values())))

</pallas_src>

<mosaic_0001>
#map = affine_map<(d0, d1) -> (0, 0)>
#map1 = affine_map<(d0, d1) -> (0)>
module attributes {stable_mosaic.version = 14 : i64} {
  func.func @_sc_scatter(%arg0: i32, %arg1: i32, %arg2: memref<32768x768xf32, #tpu.memory_space<hbm>>, %arg3: memref<32768xi32, #tpu.memory_space<hbm>>, %arg4: memref<34816x768xf32, #tpu.memory_space<hbm>>, %arg5: memref<128xi32, #tpu.memory_space<vmem>>, %arg6: memref<128x768xf32, #tpu.memory_space<vmem>>, %arg7: memref<!tpu.dma_semaphore, #tpu.memory_space<semaphore_mem>>) attributes {dimension_semantics = [#tpu.dimension_semantics<core_parallel>, #tpu.dimension_semantics<subcore_parallel>], iteration_bounds = array<i64: 2, 16>, scalar_prefetch = 0 : i64, scratch_operands = 3 : i64, tpu.core_type = #tpu.core_type<sc_vector_subcore>, window_params = [{transform_indices = #map}, {transform_indices = #map1}, {transform_indices = #map}]} {
    %mul3A = arith.constant 2 : i32
    %mul3A_0 = arith.muli %arg1, %mul3A : i32
    %add3A = arith.addi %mul3A_0, %arg0 : i32
    %mul3A_1 = arith.constant 1024 : i32
    %mul3A_2 = arith.muli %add3A, %mul3A_1 : i32
    %scan3A = arith.constant 0 : i32
    %scan3A_3 = arith.constant 8 : i32
    %scan3A_4 = arith.addi %scan3A, %scan3A_3 : i32
    %scan3A_5 = arith.constant 1 : i32
    scf.for %scan3A_7 = %scan3A to %scan3A_4 step %scan3A_5  : i32 {
      %mul3A_8 = arith.constant 128 : i32
      %mul3A_9 = arith.muli %scan3A_7, %mul3A_8 : i32
      %add3A_10 = arith.addi %mul3A_2, %mul3A_9 : i32
      "tpu.region"() ({
        %run_scoped3A = tpu.sem_alloc : memref<!tpu.dma_semaphore, #tpu.memory_space<semaphore_mem>>
        %dma_start3A_15 = tpu.memref_slice %arg3[%add3A_10] : memref<32768xi32, #tpu.memory_space<hbm>> -> memref<128xi32, #tpu.memory_space<hbm>>
        %dma_start3A_16 = tpu.memref_slice %arg3[%add3A_10] : memref<32768xi32, #tpu.memory_space<hbm>> -> memref<128xi32, #tpu.memory_space<hbm>>
        tpu.enqueue_dma source(%dma_start3A_16 : memref<128xi32, #tpu.memory_space<hbm>>) target(%arg5 : memref<128xi32, #tpu.memory_space<vmem>>) target_semaphore(%run_scoped3A : memref<!tpu.dma_semaphore, #tpu.memory_space<semaphore_mem>>)
        %dma_wait3A_17 = tpu.memref_slice %arg3[%add3A_10] : memref<32768xi32, #tpu.memory_space<hbm>> -> memref<128xi32, #tpu.memory_space<hbm>>
        %dma_wait3A_18 = tpu.memref_slice %arg3[%add3A_10] : memref<32768xi32, #tpu.memory_space<hbm>> -> memref<128xi32, #tpu.memory_space<hbm>>
        tpu.wait_dma2 semaphore(%run_scoped3A : memref<!tpu.dma_semaphore, #tpu.memory_space<semaphore_mem>>) src(%dma_wait3A_18 : memref<128xi32, #tpu.memory_space<hbm>>) dst(%arg5 : memref<128xi32, #tpu.memory_space<vmem>>)
        tpu.yield
      }) : () -> ()
      "tpu.region"() ({
        %run_scoped3A = tpu.sem_alloc : memref<!tpu.dma_semaphore, #tpu.memory_space<semaphore_mem>>
        %dma_start3A_15 = arith.constant 0 : i32
        %dma_start3A_16 = tpu.memref_slice %arg2[%add3A_10, %dma_start3A_15] : memref<32768x768xf32, #tpu.memory_space<hbm>> -> memref<128x768xf32, #tpu.memory_space<hbm>>
        %dma_start3A_17 = arith.constant 0 : i32
        %dma_start3A_18 = tpu.memref_slice %arg2[%add3A_10, %dma_start3A_17] : memref<32768x768xf32, #tpu.memory_space<hbm>> -> memref<128x768xf32, #tpu.memory_space<hbm>>
        tpu.enqueue_dma source(%dma_start3A_18 : memref<128x768xf32, #tpu.memory_space<hbm>>) target(%arg6 : memref<128x768xf32, #tpu.memory_space<vmem>>) target_semaphore(%run_scoped3A : memref<!tpu.dma_semaphore, #tpu.memory_space<semaphore_mem>>)
        %dma_wait3A_19 = arith.constant 0 : i32
        %dma_wait3A_20 = tpu.memref_slice %arg2[%add3A_10, %dma_wait3A_19] : memref<32768x768xf32, #tpu.memory_space<hbm>> -> memref<128x768xf32, #tpu.memory_space<hbm>>
        %dma_wait3A_21 = arith.constant 0 : i32
        %dma_wait3A_22 = tpu.memref_slice %arg2[%add3A_10, %dma_wait3A_21] : memref<32768x768xf32, #tpu.memory_space<hbm>> -> memref<128x768xf32, #tpu.memory_space<hbm>>
        tpu.wait_dma2 semaphore(%run_scoped3A : memref<!tpu.dma_semaphore, #tpu.memory_space<semaphore_mem>>) src(%dma_wait3A_22 : memref<128x768xf32, #tpu.memory_space<hbm>>) dst(%arg6 : memref<128x768xf32, #tpu.memory_space<vmem>>)
        tpu.yield
      }) : () -> ()
      %dma_start3A = arith.constant 0 : i32
      %dma_start3A_11 = arith.constant 0 : i32
      %dma_start3A_12 = tpu.memref_slice %arg4[%dma_start3A, %dma_start3A_11] : memref<34816x768xf32, #tpu.memory_space<hbm>> -> memref<34816x768xf32, #tpu.memory_space<hbm>>
      tpu.enqueue_indirect_dma source(%arg6 : memref<128x768xf32, #tpu.memory_space<vmem>>) target(%dma_start3A_12 : memref<34816x768xf32, #tpu.memory_space<hbm>>) offsets(%arg5 : memref<128xi32, #tpu.memory_space<vmem>>) semaphore(%arg7 : memref<!tpu.dma_semaphore, #tpu.memory_space<semaphore_mem>>)
      %dma_wait3A = arith.constant 0 : i32
      %dma_wait3A_13 = arith.constant 0 : i32
      %dma_wait3A_14 = tpu.memref_slice %arg4[%dma_wait3A, %dma_wait3A_13] : memref<34816x768xf32, #tpu.memory_space<hbm>> -> memref<34816x768xf32, #tpu.memory_space<hbm>>
      tpu.wait_indirect_dma semaphore(%arg7 : memref<!tpu.dma_semaphore, #tpu.memory_space<semaphore_mem>>) src(%arg6 : memref<128x768xf32, #tpu.memory_space<vmem>>) dst(%dma_wait3A_14 : memref<34816x768xf32, #tpu.memory_space<hbm>>)
    }
    %scan3A_6 = arith.constant 8 : i32
    return
  }
}

#map = affine_map<(d0, d1) -> (0, 0)>
#map1 = affine_map<(d0, d1) -> (0)>
module attributes {stable_mosaic.version = 14 : i64} {
  func.func @_sc_gather(%arg0: i32, %arg1: i32, %arg2: memref<32768x768xf32, #tpu.memory_space<hbm>>, %arg3: memref<32768xi32, #tpu.memory_space<hbm>>, %arg4: memref<32768x768xf32, #tpu.memory_space<hbm>>, %arg5: memref<128xi32, #tpu.memory_space<vmem>>, %arg6: memref<128x768xf32, #tpu.memory_space<vmem>>, %arg7: memref<!tpu.dma_semaphore, #tpu.memory_space<semaphore_mem>>) attributes {dimension_semantics = [#tpu.dimension_semantics<core_parallel>, #tpu.dimension_semantics<subcore_parallel>], iteration_bounds = array<i64: 2, 16>, scalar_prefetch = 0 : i64, scratch_operands = 3 : i64, tpu.core_type = #tpu.core_type<sc_vector_subcore>, window_params = [{transform_indices = #map}, {transform_indices = #map1}, {transform_indices = #map}]} {
    %mul3A = arith.constant 2 : i32
    %mul3A_0 = arith.muli %arg1, %mul3A : i32
    %add3A = arith.addi %mul3A_0, %arg0 : i32
    %mul3A_1 = arith.constant 1024 : i32
    %mul3A_2 = arith.muli %add3A, %mul3A_1 : i32
    %scan3A = arith.constant 0 : i32
    %scan3A_3 = arith.constant 8 : i32
    %scan3A_4 = arith.addi %scan3A, %scan3A_3 : i32
    %scan3A_5 = arith.constant 1 : i32
    scf.for %scan3A_7 = %scan3A to %scan3A_4 step %scan3A_5  : i32 {
      %mul3A_8 = arith.constant 128 : i32
      %mul3A_9 = arith.muli %scan3A_7, %mul3A_8 : i32
      %add3A_10 = arith.addi %mul3A_2, %mul3A_9 : i32
      "tpu.region"() ({
        %run_scoped3A = tpu.sem_alloc : memref<!tpu.dma_semaphore, #tpu.memory_space<semaphore_mem>>
        %dma_start3A_15 = tpu.memref_slice %arg3[%add3A_10] : memref<32768xi32, #tpu.memory_space<hbm>> -> memref<128xi32, #tpu.memory_space<hbm>>
        %dma_start3A_16 = tpu.memref_slice %arg3[%add3A_10] : memref<32768xi32, #tpu.memory_space<hbm>> -> memref<128xi32, #tpu.memory_space<hbm>>
        tpu.enqueue_dma source(%dma_start3A_16 : memref<128xi32, #tpu.memory_space<hbm>>) target(%arg5 : memref<128xi32, #tpu.memory_space<vmem>>) target_semaphore(%run_scoped3A : memref<!tpu.dma_semaphore, #tpu.memory_space<semaphore_mem>>)
        %dma_wait3A_17 = tpu.memref_slice %arg3[%add3A_10] : memref<32768xi32, #tpu.memory_space<hbm>> -> memref<128xi32, #tpu.memory_space<hbm>>
        %dma_wait3A_18 = tpu.memref_slice %arg3[%add3A_10] : memref<32768xi32, #tpu.memory_space<hbm>> -> memref<128xi32, #tpu.memory_space<hbm>>
        tpu.wait_dma2 semaphore(%run_scoped3A : memref<!tpu.dma_semaphore, #tpu.memory_space<semaphore_mem>>) src(%dma_wait3A_18 : memref<128xi32, #tpu.memory_space<hbm>>) dst(%arg5 : memref<128xi32, #tpu.memory_space<vmem>>)
        tpu.yield
      }) : () -> ()
      %dma_start3A = arith.constant 0 : i32
      %dma_start3A_11 = arith.constant 0 : i32
      %dma_start3A_12 = tpu.memref_slice %arg2[%dma_start3A, %dma_start3A_11] : memref<32768x768xf32, #tpu.memory_space<hbm>> -> memref<32768x768xf32, #tpu.memory_space<hbm>>
      tpu.enqueue_indirect_dma source(%dma_start3A_12 : memref<32768x768xf32, #tpu.memory_space<hbm>>) target(%arg6 : memref<128x768xf32, #tpu.memory_space<vmem>>) offsets(%arg5 : memref<128xi32, #tpu.memory_space<vmem>>) semaphore(%arg7 : memref<!tpu.dma_semaphore, #tpu.memory_space<semaphore_mem>>)
      %dma_wait3A = arith.constant 0 : i32
      %dma_wait3A_13 = arith.constant 0 : i32
      %dma_wait3A_14 = tpu.memref_slice %arg2[%dma_wait3A, %dma_wait3A_13] : memref<32768x768xf32, #tpu.memory_space<hbm>> -> memref<32768x768xf32, #tpu.memory_space<hbm>>
      tpu.wait_indirect_dma semaphore(%arg7 : memref<!tpu.dma_semaphore, #tpu.memory_space<semaphore_mem>>) src(%dma_wait3A_14 : memref<32768x768xf32, #tpu.memory_space<hbm>>) dst(%arg6 : memref<128x768xf32, #tpu.memory_space<vmem>>)
      "tpu.region"() ({
        %run_scoped3A = tpu.sem_alloc : memref<!tpu.dma_semaphore, #tpu.memory_space<semaphore_mem>>
        %dma_start3A_15 = arith.constant 0 : i32
        %dma_start3A_16 = tpu.memref_slice %arg4[%add3A_10, %dma_start3A_15] : memref<32768x768xf32, #tpu.memory_space<hbm>> -> memref<128x768xf32, #tpu.memory_space<hbm>>
        %dma_start3A_17 = arith.constant 0 : i32
        %dma_start3A_18 = tpu.memref_slice %arg4[%add3A_10, %dma_start3A_17] : memref<32768x768xf32, #tpu.memory_space<hbm>> -> memref<128x768xf32, #tpu.memory_space<hbm>>
        tpu.enqueue_dma source(%arg6 : memref<128x768xf32, #tpu.memory_space<vmem>>) target(%dma_start3A_18 : memref<128x768xf32, #tpu.memory_space<hbm>>) target_semaphore(%run_scoped3A : memref<!tpu.dma_semaphore, #tpu.memory_space<semaphore_mem>>)
        %dma_wait3A_19 = arith.constant 0 : i32
        %dma_wait3A_20 = tpu.memref_slice %arg4[%add3A_10, %dma_wait3A_19] : memref<32768x768xf32, #tpu.memory_space<hbm>> -> memref<128x768xf32, #tpu.memory_space<hbm>>
        %dma_wait3A_21 = arith.constant 0 : i32
        %dma_wait3A_22 = tpu.memref_slice %arg4[%add3A_10, %dma_wait3A_21] : memref<32768x768xf32, #tpu.memory_space<hbm>> -> memref<128x768xf32, #tpu.memory_space<hbm>>
        tpu.wait_dma2 semaphore(%run_scoped3A : memref<!tpu.dma_semaphore, #tpu.memory_space<semaphore_mem>>) src(%arg6 : memref<128x768xf32, #tpu.memory_space<vmem>>) dst(%dma_wait3A_22 : memref<128x768xf32, #tpu.memory_space<hbm>>)
        tpu.yield
      }) : () -> ()
    }
    %scan3A_6 = arith.constant 8 : i32
    return
  }
}

#map = affine_map<(d0, d1) -> (0, 0)>
#map1 = affine_map<(d0, d1) -> (0)>
module attributes {stable_mosaic.version = 14 : i64} {
  func.func @_sc_gather(%arg0: i32, %arg1: i32, %arg2: memref<32768x768xf32, #tpu.memory_space<hbm>>, %arg3: memref<32768xi32, #tpu.memory_space<hbm>>, %arg4: memref<32768x768xf32, #tpu.memory_space<hbm>>, %arg5: memref<128xi32, #tpu.memory_space<vmem>>, %arg6: memref<128x768xf32, #tpu.memory_space<vmem>>, %arg7: memref<!tpu.dma_semaphore, #tpu.memory_space<semaphore_mem>>) attributes {dimension_semantics = [#tpu.dimension_semantics<core_parallel>, #tpu.dimension_semantics<subcore_parallel>], iteration_bounds = array<i64: 2, 16>, scalar_prefetch = 0 : i64, scratch_operands = 3 : i64, tpu.core_type = #tpu.core_type<sc_vector_subcore>, window_params = [{transform_indices = #map}, {transform_indices = #map1}, {transform_indices = #map}]} {
    %mul3A = arith.constant 2 : i32
    %mul3A_0 = arith.muli %arg1, %mul3A : i32
    %add3A = arith.addi %mul3A_0, %arg0 : i32
    %mul3A_1 = arith.constant 1024 : i32
    %mul3A_2 = arith.muli %add3A, %mul3A_1 : i32
    %scan3A = arith.constant 0 : i32
    %scan3A_3 = arith.constant 8 : i32
    %scan3A_4 = arith.addi %scan3A, %scan3A_3 : i32
    %scan3A_5 = arith.constant 1 : i32
    scf.for %scan3A_7 = %scan3A to %scan3A_4 step %scan3A_5  : i32 {
      %mul3A_8 = arith.constant 128 : i32
      %mul3A_9 = arith.muli %scan3A_7, %mul3A_8 : i32
      %add3A_10 = arith.addi %mul3A_2, %mul3A_9 : i32
      "tpu.region"() ({
        %run_scoped3A = tpu.sem_alloc : memref<!tpu.dma_semaphore, #tpu.memory_space<semaphore_mem>>
        %dma_start3A_15 = tpu.memref_slice %arg3[%add3A_10] : memref<32768xi32, #tpu.memory_space<hbm>> -> memref<128xi32, #tpu.memory_space<hbm>>
        %dma_start3A_16 = tpu.memref_slice %arg3[%add3A_10] : memref<32768xi32, #tpu.memory_space<hbm>> -> memref<128xi32, #tpu.memory_space<hbm>>
        tpu.enqueue_dma source(%dma_start3A_16 : memref<128xi32, #tpu.memory_space<hbm>>) target(%arg5 : memref<128xi32, #tpu.memory_space<vmem>>) target_semaphore(%run_scoped3A : memref<!tpu.dma_semaphore, #tpu.memory_space<semaphore_mem>>)
        %dma_wait3A_17 = tpu.memref_slice %arg3[%add3A_10] : memref<32768xi32, #tpu.memory_space<hbm>> -> memref<128xi32, #tpu.memory_space<hbm>>
        %dma_wait3A_18 = tpu.memref_slice %arg3[%add3A_10] : memref<32768xi32, #tpu.memory_space<hbm>> -> memref<128xi32, #tpu.memory_space<hbm>>
        tpu.wait_dma2 semaphore(%run_scoped3A : memref<!tpu.dma_semaphore, #tpu.memory_space<semaphore_mem>>) src(%dma_wait3A_18 : memref<128xi32, #tpu.memory_space<hbm>>) dst(%arg5 : memref<128xi32, #tpu.memory_space<vmem>>)
        tpu.yield
      }) : () -> ()
      %dma_start3A = arith.constant 0 : i32
      %dma_start3A_11 = arith.constant 0 : i32
      %dma_start3A_12 = tpu.memref_slice %arg2[%dma_start3A, %dma_start3A_11] : memref<32768x768xf32, #tpu.memory_space<hbm>> -> memref<32768x768xf32, #tpu.memory_space<hbm>>
      tpu.enqueue_indirect_dma source(%dma_start3A_12 : memref<32768x768xf32, #tpu.memory_space<hbm>>) target(%arg6 : memref<128x768xf32, #tpu.memory_space<vmem>>) offsets(%arg5 : memref<128xi32, #tpu.memory_space<vmem>>) semaphore(%arg7 : memref<!tpu.dma_semaphore, #tpu.memory_space<semaphore_mem>>)
      %dma_wait3A = arith.constant 0 : i32
      %dma_wait3A_13 = arith.constant 0 : i32
      %dma_wait3A_14 = tpu.memref_slice %arg2[%dma_wait3A, %dma_wait3A_13] : memref<32768x768xf32, #tpu.memory_space<hbm>> -> memref<32768x768xf32, #tpu.memory_space<hbm>>
      tpu.wait_indirect_dma semaphore(%arg7 : memref<!tpu.dma_semaphore, #tpu.memory_space<semaphore_mem>>) src(%dma_wait3A_14 : memref<32768x768xf32, #tpu.memory_space<hbm>>) dst(%arg6 : memref<128x768xf32, #tpu.memory_space<vmem>>)
      "tpu.region"() ({
        %run_scoped3A = tpu.sem_alloc : memref<!tpu.dma_semaphore, #tpu.memory_space<semaphore_mem>>
        %dma_start3A_15 = arith.constant 0 : i32
        %dma_start3A_16 = tpu.memref_slice %arg4[%add3A_10, %dma_start3A_15] : memref<32768x768xf32, #tpu.memory_space<hbm>> -> memref<128x768xf32, #tpu.memory_space<hbm>>
        %dma_start3A_17 = arith.constant 0 : i32
        %dma_start3A_18 = tpu.memref_slice %arg4[%add3A_10, %dma_start3A_17] : memref<32768x768xf32, #tpu.memory_space<hbm>> -> memref<128x768xf32, #tpu.memory_space<hbm>>
        tpu.enqueue_dma source(%arg6 : memref<128x768xf32, #tpu.memory_space<vmem>>) target(%dma_start3A_18 : memref<128x768xf32, #tpu.memory_space<hbm>>) target_semaphore(%run_scoped3A : memref<!tpu.dma_semaphore, #tpu.memory_space<semaphore_mem>>)
        %dma_wait3A_19 = arith.constant 0 : i32
        %dma_wait3A_20 = tpu.memref_slice %arg4[%add3A_10, %dma_wait3A_19] : memref<32768x768xf32, #tpu.memory_space<hbm>> -> memref<128x768xf32, #tpu.memory_space<hbm>>
        %dma_wait3A_21 = arith.constant 0 : i32
        %dma_wait3A_22 = tpu.memref_slice %arg4[%add3A_10, %dma_wait3A_21] : memref<32768x768xf32, #tpu.memory_space<hbm>> -> memref<128x768xf32, #tpu.memory_space<hbm>>
        tpu.wait_dma2 semaphore(%run_scoped3A : memref<!tpu.dma_semaphore, #tpu.memory_space<semaphore_mem>>) src(%arg6 : memref<128x768xf32, #tpu.memory_space<vmem>>) dst(%dma_wait3A_22 : memref<128x768xf32, #tpu.memory_space<hbm>>)
        tpu.yield
      }) : () -> ()
    }
    %scan3A_6 = arith.constant 8 : i32
    return
  }
}

#map = affine_map<(d0, d1) -> (0, 0)>
#map1 = affine_map<(d0, d1) -> (0)>
module attributes {stable_mosaic.version = 14 : i64} {
  func.func @_sc_scatter(%arg0: i32, %arg1: i32, %arg2: memref<32768x768xf32, #tpu.memory_space<hbm>>, %arg3: memref<32768xi32, #tpu.memory_space<hbm>>, %arg4: memref<34816x768xf32, #tpu.memory_space<hbm>>, %arg5: memref<128xi32, #tpu.memory_space<vmem>>, %arg6: memref<128x768xf32, #tpu.memory_space<vmem>>, %arg7: memref<!tpu.dma_semaphore, #tpu.memory_space<semaphore_mem>>) attributes {dimension_semantics = [#tpu.dimension_semantics<core_parallel>, #tpu.dimension_semantics<subcore_parallel>], iteration_bounds = array<i64: 2, 16>, scalar_prefetch = 0 : i64, scratch_operands = 3 : i64, tpu.core_type = #tpu.core_type<sc_vector_subcore>, window_params = [{transform_indices = #map}, {transform_indices = #map1}, {transform_indices = #map}]} {
    %mul3A = arith.constant 2 : i32
    %mul3A_0 = arith.muli %arg1, %mul3A : i32
    %add3A = arith.addi %mul3A_0, %arg0 : i32
    %mul3A_1 = arith.constant 1024 : i32
    %mul3A_2 = arith.muli %add3A, %mul3A_1 : i32
    %scan3A = arith.constant 0 : i32
    %scan3A_3 = arith.constant 8 : i32
    %scan3A_4 = arith.addi %scan3A, %scan3A_3 : i32
    %scan3A_5 = arith.constant 1 : i32
    scf.for %scan3A_7 = %scan3A to %scan3A_4 step %scan3A_5  : i32 {
      %mul3A_8 = arith.constant 128 : i32
      %mul3A_9 = arith.muli %scan3A_7, %mul3A_8 : i32
      %add3A_10 = arith.addi %mul3A_2, %mul3A_9 : i32
      "tpu.region"() ({
        %run_scoped3A = tpu.sem_alloc : memref<!tpu.dma_semaphore, #tpu.memory_space<semaphore_mem>>
        %dma_start3A_15 = tpu.memref_slice %arg3[%add3A_10] : memref<32768xi32, #tpu.memory_space<hbm>> -> memref<128xi32, #tpu.memory_space<hbm>>
        %dma_start3A_16 = tpu.memref_slice %arg3[%add3A_10] : memref<32768xi32, #tpu.memory_space<hbm>> -> memref<128xi32, #tpu.memory_space<hbm>>
        tpu.enqueue_dma source(%dma_start3A_16 : memref<128xi32, #tpu.memory_space<hbm>>) target(%arg5 : memref<128xi32, #tpu.memory_space<vmem>>) target_semaphore(%run_scoped3A : memref<!tpu.dma_semaphore, #tpu.memory_space<semaphore_mem>>)
        %dma_wait3A_17 = tpu.memref_slice %arg3[%add3A_10] : memref<32768xi32, #tpu.memory_space<hbm>> -> memref<128xi32, #tpu.memory_space<hbm>>
        %dma_wait3A_18 = tpu.memref_slice %arg3[%add3A_10] : memref<32768xi32, #tpu.memory_space<hbm>> -> memref<128xi32, #tpu.memory_space<hbm>>
        tpu.wait_dma2 semaphore(%run_scoped3A : memref<!tpu.dma_semaphore, #tpu.memory_space<semaphore_mem>>) src(%dma_wait3A_18 : memref<128xi32, #tpu.memory_space<hbm>>) dst(%arg5 : memref<128xi32, #tpu.memory_space<vmem>>)
        tpu.yield
      }) : () -> ()
      "tpu.region"() ({
        %run_scoped3A = tpu.sem_alloc : memref<!tpu.dma_semaphore, #tpu.memory_space<semaphore_mem>>
        %dma_start3A_15 = arith.constant 0 : i32
        %dma_start3A_16 = tpu.memref_slice %arg2[%add3A_10, %dma_start3A_15] : memref<32768x768xf32, #tpu.memory_space<hbm>> -> memref<128x768xf32, #tpu.memory_space<hbm>>
        %dma_start3A_17 = arith.constant 0 : i32
        %dma_start3A_18 = tpu.memref_slice %arg2[%add3A_10, %dma_start3A_17] : memref<32768x768xf32, #tpu.memory_space<hbm>> -> memref<128x768xf32, #tpu.memory_space<hbm>>
        tpu.enqueue_dma source(%dma_start3A_18 : memref<128x768xf32, #tpu.memory_space<hbm>>) target(%arg6 : memref<128x768xf32, #tpu.memory_space<vmem>>) target_semaphore(%run_scoped3A : memref<!tpu.dma_semaphore, #tpu.memory_space<semaphore_mem>>)
        %dma_wait3A_19 = arith.constant 0 : i32
        %dma_wait3A_20 = tpu.memref_slice %arg2[%add3A_10, %dma_wait3A_19] : memref<32768x768xf32, #tpu.memory_space<hbm>> -> memref<128x768xf32, #tpu.memory_space<hbm>>
        %dma_wait3A_21 = arith.constant 0 : i32
        %dma_wait3A_22 = tpu.memref_slice %arg2[%add3A_10, %dma_wait3A_21] : memref<32768x768xf32, #tpu.memory_space<hbm>> -> memref<128x768xf32, #tpu.memory_space<hbm>>
        tpu.wait_dma2 semaphore(%run_scoped3A : memref<!tpu.dma_semaphore, #tpu.memory_space<semaphore_mem>>) src(%dma_wait3A_22 : memref<128x768xf32, #tpu.memory_space<hbm>>) dst(%arg6 : memref<128x768xf32, #tpu.memory_space<vmem>>)
        tpu.yield
      }) : () -> ()
      %dma_start3A = arith.constant 0 : i32
      %dma_start3A_11 = arith.constant 0 : i32
      %dma_start3A_12 = tpu.memref_slice %arg4[%dma_start3A, %dma_start3A_11] : memref<34816x768xf32, #tpu.memory_space<hbm>> -> memref<34816x768xf32, #tpu.memory_space<hbm>>
      tpu.enqueue_indirect_dma source(%arg6 : memref<128x768xf32, #tpu.memory_space<vmem>>) target(%dma_start3A_12 : memref<34816x768xf32, #tpu.memory_space<hbm>>) offsets(%arg5 : memref<128xi32, #tpu.memory_space<vmem>>) semaphore(%arg7 : memref<!tpu.dma_semaphore, #tpu.memory_space<semaphore_mem>>)
      %dma_wait3A = arith.constant 0 : i32
      %dma_wait3A_13 = arith.constant 0 : i32
      %dma_wait3A_14 = tpu.memref_slice %arg4[%dma_wait3A, %dma_wait3A_13] : memref<34816x768xf32, #tpu.memory_space<hbm>> -> memref<34816x768xf32, #tpu.memory_space<hbm>>
      tpu.wait_indirect_dma semaphore(%arg7 : memref<!tpu.dma_semaphore, #tpu.memory_space<semaphore_mem>>) src(%arg6 : memref<128x768xf32, #tpu.memory_space<vmem>>) dst(%dma_wait3A_14 : memref<34816x768xf32, #tpu.memory_space<hbm>>)
    }
    %scan3A_6 = arith.constant 8 : i32
    return
  }
}

module attributes {stable_mosaic.version = 14 : i64} {
  func.func @_rank_body(%arg0: i32, %arg1: i32, %arg2: memref<1x1x256xf32, #tpu.memory_space<vmem>>, %arg3: memref<1x8192x1xf32, #tpu.memory_space<vmem>>, %arg4: memref<1x1x256xi32, #tpu.memory_space<vmem>>) attributes {dimension_semantics = [#tpu.dimension_semantics<arbitrary>, #tpu.dimension_semantics<arbitrary>], iteration_bounds = array<i64: 4, 32>, scalar_prefetch = 0 : i64, scratch_operands = 0 : i64, tpu.core_type = #tpu.core_type<tc>, window_params = [{transform_indices = @transform_0, window_bounds = array<i64: 1, 1, 256>}, {transform_indices = @transform_1, window_bounds = array<i64: 1, 8192, 1>}, {transform_indices = @transform_2, window_bounds = array<i64: 1, 1, 256>}]} {
    %get3A = arith.constant 0 : index
    %get3A_0 = arith.constant 0 : index
    %get3A_1 = arith.constant 0 : index
    %get3A_2 = vector.load %arg2[%get3A, %get3A_0, %get3A_1] : memref<1x1x256xf32, #tpu.memory_space<vmem>>, vector<1x1x256xf32>
    %get3A_3 = vector.shape_cast %get3A_2 : vector<1x1x256xf32> to vector<1x256xf32>
    %iota3A = tpu.iota {dimensions = array<i32: 1>} : vector<1x256xi32>
    %mul3A = arith.constant 256 : i32
    %mul3A_4 = arith.muli %arg1, %mul3A : i32
    %add3A = vector.broadcast %mul3A_4 : i32 to vector<1x256xi32>
    %add3A_5 = arith.addi %iota3A, %add3A : vector<1x256xi32>
    %get3A_6 = arith.constant 0 : index
    %get3A_7 = arith.constant 0 : index
    %get3A_8 = arith.constant 0 : index
    %get3A_9 = vector.load %arg3[%get3A_6, %get3A_7, %get3A_8] : memref<1x8192x1xf32, #tpu.memory_space<vmem>>, vector<1x8192x1xf32>
    %get3A_10 = vector.shape_cast %get3A_9 : vector<1x8192x1xf32> to vector<8192x1xf32>
    %iota3A_11 = tpu.iota {dimensions = array<i32: 0>} : vector<8192x1xi32>
    %lt3A = vector.broadcast %get3A_10 : vector<8192x1xf32> to vector<8192x256xf32>
    %lt3A_12 = vector.broadcast %get3A_3 : vector<1x256xf32> to vector<8192x256xf32>
    %lt3A_13 = arith.cmpf olt, %lt3A, %lt3A_12 : vector<8192x256xf32>
    %eq3A = vector.broadcast %get3A_10 : vector<8192x1xf32> to vector<8192x256xf32>
    %eq3A_14 = vector.broadcast %get3A_3 : vector<1x256xf32> to vector<8192x256xf32>
    %eq3A_15 = arith.cmpf oeq, %eq3A, %eq3A_14 : vector<8192x256xf32>
    %lt3A_16 = vector.broadcast %iota3A_11 : vector<8192x1xi32> to vector<8192x256xi32>
    %lt3A_17 = vector.broadcast %add3A_5 : vector<1x256xi32> to vector<8192x256xi32>
    %lt3A_18 = arith.cmpi slt, %lt3A_16, %lt3A_17 : vector<8192x256xi32>
    %and3A = arith.andi %eq3A_15, %lt3A_18 : vector<8192x256xi1>
    %or3A = arith.ori %lt3A_13, %and3A : vector<8192x256xi1>
    %convert_element_type3A = arith.extui %or3A : vector<8192x256xi1> to vector<8192x256xi32>
    %convert_element_type3A_19 = arith.sitofp %convert_element_type3A : vector<8192x256xi32> to vector<8192x256xf32>
    %reduce_sum3A = arith.constant dense<0.000000e+00> : vector<256xf32>
    %reduce_sum3A_20 = vector.multi_reduction <add>, %convert_element_type3A_19, %reduce_sum3A [0] : vector<8192x256xf32> to vector<256xf32>
    %broadcast_in_dim3A = vector.shape_cast %reduce_sum3A_20 : vector<256xf32> to vector<1x256xf32>
    %convert_element_type3A_21 = arith.fptosi %broadcast_in_dim3A : vector<1x256xf32> to vector<1x256xi32>
    %swap3A = arith.constant 0 : index
    %swap3A_22 = arith.constant 0 : index
    %swap3A_23 = arith.constant 0 : index
    %swap3A_24 = vector.load %arg4[%swap3A, %swap3A_22, %swap3A_23] : memref<1x1x256xi32, #tpu.memory_space<vmem>>, vector<1x1x256xi32>
    %swap3A_25 = vector.shape_cast %swap3A_24 : vector<1x1x256xi32> to vector<1x256xi32>
    %swap3A_26 = vector.shape_cast %convert_element_type3A_21 : vector<1x256xi32> to vector<1x1x256xi32>
    tpu.vector_store %arg4[%swap3A, %swap3A_22, %swap3A_23], %swap3A_26 {strides = array<i32>} : memref<1x1x256xi32, #tpu.memory_space<vmem>>, vector<1x1x256xi32>,
    return
  }
  func.func @transform_0(%arg0: i32, %arg1: i32) -> (i32, i32, i32) {
    %c0_i32 = arith.constant 0 : i32
    %c0_i32_0 = arith.constant 0 : i32
    return %arg0, %c0_i32, %arg1 : i32, i32, i32
  }
  func.func @transform_1(%arg0: i32, %arg1: i32) -> (i32, i32, i32) {
    %c0_i32 = arith.constant 0 : i32
    %c0_i32_0 = arith.constant 0 : i32
    %c0_i32_1 = arith.constant 0 : i32
    return %arg0, %c0_i32, %c0_i32_0 : i32, i32, i32
  }
  func.func @transform_2(%arg0: i32, %arg1: i32) -> (i32, i32, i32) {
    %c0_i32 = arith.constant 0 : i32
    %c0_i32_0 = arith.constant 0 : i32
    return %arg0, %c0_i32, %arg1 : i32, i32, i32
  }
}

module attributes {stable_mosaic.version = 14 : i64} {
  func.func @_conv_body(%arg0: i32, %arg1: i32, %arg2: memref<1x512x768xf32, #tpu.memory_space<vmem>>, %arg3: memref<1x512x768xf32, #tpu.memory_space<vmem>>, %arg4: memref<1x8x768xf32, #tpu.memory_space<vmem>>, %arg5: memref<1x512x768xf32, #tpu.memory_space<vmem>>) attributes {dimension_semantics = [#tpu.dimension_semantics<arbitrary>, #tpu.dimension_semantics<arbitrary>], iteration_bounds = array<i64: 4, 16>, scalar_prefetch = 0 : i64, scratch_operands = 0 : i64, tpu.core_type = #tpu.core_type<tc>, window_params = [{transform_indices = @transform_0, window_bounds = array<i64: 1, 512, 768>}, {transform_indices = @transform_1, window_bounds = array<i64: 1, 512, 768>}, {pipeline_mode = #tpu.pipeline_mode<synchronous>, transform_indices = @transform_2, window_bounds = array<i64: 1, 8, 768>}, {transform_indices = @transform_3, window_bounds = array<i64: 1, 512, 768>}]} {
    %get3A = arith.constant 0 : index
    %get3A_0 = arith.constant 0 : index
    %get3A_1 = arith.constant 0 : index
    %get3A_2 = vector.load %arg2[%get3A, %get3A_0, %get3A_1] : memref<1x512x768xf32, #tpu.memory_space<vmem>>, vector<1x512x768xf32>
    %get3A_3 = vector.shape_cast %get3A_2 : vector<1x512x768xf32> to vector<512x768xf32>
    %get3A_4 = arith.constant 0 : index
    %get3A_5 = arith.constant 0 : index
    %get3A_6 = arith.constant 0 : index
    %get3A_7 = vector.load %arg3[%get3A_4, %get3A_5, %get3A_6] : memref<1x512x768xf32, #tpu.memory_space<vmem>>, vector<1x512x768xf32>
    %get3A_8 = vector.shape_cast %get3A_7 : vector<1x512x768xf32> to vector<512x768xf32>
    %concatenate3A = tpu.concatenate %get3A_3, %get3A_8 in 0 : vector<512x768xf32>, vector<512x768xf32> -> vector<1024x768xf32>
    %iota3A = tpu.iota {dimensions = array<i32: 0>} : vector<512x1xi32>
    %mul3A = arith.constant 512 : i32
    %mul3A_9 = arith.muli %arg1, %mul3A : i32
    %add3A = vector.broadcast %mul3A_9 : i32 to vector<512x1xi32>
    %add3A_10 = arith.addi %iota3A, %add3A : vector<512x1xi32>
    %add3A_11 = arith.constant 0 : i32
    %add3A_12 = vector.broadcast %add3A_11 : i32 to vector<512x1xi32>
    %add3A_13 = arith.addi %add3A_10, %add3A_12 : vector<512x1xi32>
    %ge3A = arith.constant 4 : i32
    %ge3A_14 = vector.broadcast %ge3A : i32 to vector<512x1xi32>
    %ge3A_15 = arith.cmpi sge, %add3A_13, %ge3A_14 : vector<512x1xi32>
    %lt3A = arith.constant 8196 : i32
    %lt3A_16 = vector.broadcast %lt3A : i32 to vector<512x1xi32>
    %lt3A_17 = arith.cmpi slt, %add3A_13, %lt3A_16 : vector<512x1xi32>
    %and3A = arith.andi %ge3A_15, %lt3A_17 : vector<512x1xi1>
    %slice3A = vector.extract_strided_slice %concatenate3A {offsets = [0, 0], sizes = [512, 768], strides = [1, 1]} : vector<1024x768xf32> to vector<512x768xf32>
    %jit3A = arith.constant 0.000000e+00 : f32
    %broadcast_in_dim3A = vector.shape_cast %and3A : vector<512x1xi1> to vector<512x1xi1>
    %broadcast_in_dim3A_18 = vector.broadcast %broadcast_in_dim3A : vector<512x1xi1> to vector<512x768xi1>
    %broadcast_in_dim3A_19 = vector.broadcast %jit3A : f32 to vector<512x768xf32>
    %select_n3A = arith.select %broadcast_in_dim3A_18, %slice3A, %broadcast_in_dim3A_19 : vector<512x768xi1>, vector<512x768xf32>
    %get3A_20 = arith.constant 0 : index
    %get3A_21 = arith.constant 0 : index
    %get3A_22 = arith.constant 0 : index
    %get3A_23 = vector.load %arg4[%get3A_20, %get3A_21, %get3A_22] : memref<1x8x768xf32, #tpu.memory_space<vmem>>, vector<1x1x768xf32>
    %get3A_24 = vector.shape_cast %get3A_23 : vector<1x1x768xf32> to vector<768xf32>
    %broadcast_in_dim3A_25 = vector.shape_cast %get3A_24 : vector<768xf32> to vector<1x768xf32>
    %mul3A_26 = vector.broadcast %broadcast_in_dim3A_25 : vector<1x768xf32> to vector<512x768xf32>
    %mul3A_27 = arith.mulf %select_n3A, %mul3A_26 : vector<512x768xf32>
    %add3A_28 = arith.constant 1 : i32
    %add3A_29 = vector.broadcast %add3A_28 : i32 to vector<512x1xi32>
    %add3A_30 = arith.addi %add3A_10, %add3A_29 : vector<512x1xi32>
    %ge3A_31 = arith.constant 4 : i32
    %ge3A_32 = vector.broadcast %ge3A_31 : i32 to vector<512x1xi32>
    %ge3A_33 = arith.cmpi sge, %add3A_30, %ge3A_32 : vector<512x1xi32>
    %lt3A_34 = arith.constant 8196 : i32
    %lt3A_35 = vector.broadcast %lt3A_34 : i32 to vector<512x1xi32>
    %lt3A_36 = arith.cmpi slt, %add3A_30, %lt3A_35 : vector<512x1xi32>
    %and3A_37 = arith.andi %ge3A_33, %lt3A_36 : vector<512x1xi1>
    %slice3A_38 = vector.extract_strided_slice %concatenate3A {offsets = [1, 0], sizes = [512, 768], strides = [1, 1]} : vector<1024x768xf32> to vector<512x768xf32>
    %jit3A_39 = arith.constant 0.000000e+00 : f32
    %broadcast_in_dim3A_40 = vector.shape_cast %and3A_37 : vector<512x1xi1> to vector<512x1xi1>
    %broadcast_in_dim3A_41 = vector.broadcast %broadcast_in_dim3A_40 : vector<512x1xi1> to vector<512x768xi1>
    %broadcast_in_dim3A_42 = vector.broadcast %jit3A_39 : f32 to vector<512x768xf32>
    %select_n3A_43 = arith.select %broadcast_in_dim3A_41, %slice3A_38, %broadcast_in_dim3A_42 : vector<512x768xi1>, vector<512x768xf32>
    %get3A_44 = arith.constant 0 : index
    %get3A_45 = arith.constant 1 : index
    %get3A_46 = arith.constant 0 : index
    %get3A_47 = vector.load %arg4[%get3A_44, %get3A_45, %get3A_46] : memref<1x8x768xf32, #tpu.memory_space<vmem>>, vector<1x1x768xf32>
    %get3A_48 = vector.shape_cast %get3A_47 : vector<1x1x768xf32> to vector<768xf32>
    %broadcast_in_dim3A_49 = vector.shape_cast %get3A_48 : vector<768xf32> to vector<1x768xf32>
    %mul3A_50 = vector.broadcast %broadcast_in_dim3A_49 : vector<1x768xf32> to vector<512x768xf32>
    %mul3A_51 = arith.mulf %select_n3A_43, %mul3A_50 : vector<512x768xf32>
    %add3A_52 = arith.addf %mul3A_27, %mul3A_51 : vector<512x768xf32>
    %add3A_53 = arith.constant 2 : i32
    %add3A_54 = vector.broadcast %add3A_53 : i32 to vector<512x1xi32>
    %add3A_55 = arith.addi %add3A_10, %add3A_54 : vector<512x1xi32>
    %ge3A_56 = arith.constant 4 : i32
    %ge3A_57 = vector.broadcast %ge3A_56 : i32 to vector<512x1xi32>
    %ge3A_58 = arith.cmpi sge, %add3A_55, %ge3A_57 : vector<512x1xi32>
    %lt3A_59 = arith.constant 8196 : i32
    %lt3A_60 = vector.broadcast %lt3A_59 : i32 to vector<512x1xi32>
    %lt3A_61 = arith.cmpi slt, %add3A_55, %lt3A_60 : vector<512x1xi32>
    %and3A_62 = arith.andi %ge3A_58, %lt3A_61 : vector<512x1xi1>
    %slice3A_63 = vector.extract_strided_slice %concatenate3A {offsets = [2, 0], sizes = [512, 768], strides = [1, 1]} : vector<1024x768xf32> to vector<512x768xf32>
    %jit3A_64 = arith.constant 0.000000e+00 : f32
    %broadcast_in_dim3A_65 = vector.shape_cast %and3A_62 : vector<512x1xi1> to vector<512x1xi1>
    %broadcast_in_dim3A_66 = vector.broadcast %broadcast_in_dim3A_65 : vector<512x1xi1> to vector<512x768xi1>
    %broadcast_in_dim3A_67 = vector.broadcast %jit3A_64 : f32 to vector<512x768xf32>
    %select_n3A_68 = arith.select %broadcast_in_dim3A_66, %slice3A_63, %broadcast_in_dim3A_67 : vector<512x768xi1>, vector<512x768xf32>
    %get3A_69 = arith.constant 0 : index
    %get3A_70 = arith.constant 2 : index
    %get3A_71 = arith.constant 0 : index
    %get3A_72 = vector.load %arg4[%get3A_69, %get3A_70, %get3A_71] : memref<1x8x768xf32, #tpu.memory_space<vmem>>, vector<1x1x768xf32>
    %get3A_73 = vector.shape_cast %get3A_72 : vector<1x1x768xf32> to vector<768xf32>
    %broadcast_in_dim3A_74 = vector.shape_cast %get3A_73 : vector<768xf32> to vector<1x768xf32>
    %mul3A_75 = vector.broadcast %broadcast_in_dim3A_74 : vector<1x768xf32> to vector<512x768xf32>
    %mul3A_76 = arith.mulf %select_n3A_68, %mul3A_75 : vector<512x768xf32>
    %add3A_77 = arith.addf %add3A_52, %mul3A_76 : vector<512x768xf32>
    %add3A_78 = arith.constant 3 : i32
    %add3A_79 = vector.broadcast %add3A_78 : i32 to vector<512x1xi32>
    %add3A_80 = arith.addi %add3A_10, %add3A_79 : vector<512x1xi32>
    %ge3A_81 = arith.constant 4 : i32
    %ge3A_82 = vector.broadcast %ge3A_81 : i32 to vector<512x1xi32>
    %ge3A_83 = arith.cmpi sge, %add3A_80, %ge3A_82 : vector<512x1xi32>
    %lt3A_84 = arith.constant 8196 : i32
    %lt3A_85 = vector.broadcast %lt3A_84 : i32 to vector<512x1xi32>
    %lt3A_86 = arith.cmpi slt, %add3A_80, %lt3A_85 : vector<512x1xi32>
    %and3A_87 = arith.andi %ge3A_83, %lt3A_86 : vector<512x1xi1>
    %slice3A_88 = vector.extract_strided_slice %concatenate3A {offsets = [3, 0], sizes = [512, 768], strides = [1, 1]} : vector<1024x768xf32> to vector<512x768xf32>
    %jit3A_89 = arith.constant 0.000000e+00 : f32
    %broadcast_in_dim3A_90 = vector.shape_cast %and3A_87 : vector<512x1xi1> to vector<512x1xi1>
    %broadcast_in_dim3A_91 = vector.broadcast %broadcast_in_dim3A_90 : vector<512x1xi1> to vector<512x768xi1>
    %broadcast_in_dim3A_92 = vector.broadcast %jit3A_89 : f32 to vector<512x768xf32>
    %select_n3A_93 = arith.select %broadcast_in_dim3A_91, %slice3A_88, %broadcast_in_dim3A_92 : vector<512x768xi1>, vector<512x768xf32>
    %get3A_94 = arith.constant 0 : index
    %get3A_95 = arith.constant 3 : index
    %get3A_96 = arith.constant 0 : index
    %get3A_97 = vector.load %arg4[%get3A_94, %get3A_95, %get3A_96] : memref<1x8x768xf32, #tpu.memory_space<vmem>>, vector<1x1x768xf32>
    %get3A_98 = vector.shape_cast %get3A_97 : vector<1x1x768xf32> to vector<768xf32>
    %broadcast_in_dim3A_99 = vector.shape_cast %get3A_98 : vector<768xf32> to vector<1x768xf32>
    %mul3A_100 = vector.broadcast %broadcast_in_dim3A_99 : vector<1x768xf32> to vector<512x768xf32>
    %mul3A_101 = arith.mulf %select_n3A_93, %mul3A_100 : vector<512x768xf32>
    %add3A_102 = arith.addf %add3A_77, %mul3A_101 : vector<512x768xf32>
    %add3A_103 = arith.constant 4 : i32
    %add3A_104 = vector.broadcast %add3A_103 : i32 to vector<512x1xi32>
    %add3A_105 = arith.addi %add3A_10, %add3A_104 : vector<512x1xi32>
    %ge3A_106 = arith.constant 4 : i32
    %ge3A_107 = vector.broadcast %ge3A_106 : i32 to vector<512x1xi32>
    %ge3A_108 = arith.cmpi sge, %add3A_105, %ge3A_107 : vector<512x1xi32>
    %lt3A_109 = arith.constant 8196 : i32
    %lt3A_110 = vector.broadcast %lt3A_109 : i32 to vector<512x1xi32>
    %lt3A_111 = arith.cmpi slt, %add3A_105, %lt3A_110 : vector<512x1xi32>
    %and3A_112 = arith.andi %ge3A_108, %lt3A_111 : vector<512x1xi1>
    %slice3A_113 = vector.extract_strided_slice %concatenate3A {offsets = [4, 0], sizes = [512, 768], strides = [1, 1]} : vector<1024x768xf32> to vector<512x768xf32>
    %jit3A_114 = arith.constant 0.000000e+00 : f32
    %broadcast_in_dim3A_115 = vector.shape_cast %and3A_112 : vector<512x1xi1> to vector<512x1xi1>
    %broadcast_in_dim3A_116 = vector.broadcast %broadcast_in_dim3A_115 : vector<512x1xi1> to vector<512x768xi1>
    %broadcast_in_dim3A_117 = vector.broadcast %jit3A_114 : f32 to vector<512x768xf32>
    %select_n3A_118 = arith.select %broadcast_in_dim3A_116, %slice3A_113, %broadcast_in_dim3A_117 : vector<512x768xi1>, vector<512x768xf32>
    %get3A_119 = arith.constant 0 : index
    %get3A_120 = arith.constant 4 : index
    %get3A_121 = arith.constant 0 : index
    %get3A_122 = vector.load %arg4[%get3A_119, %get3A_120, %get3A_121] : memref<1x8x768xf32, #tpu.memory_space<vmem>>, vector<1x1x768xf32>
    %get3A_123 = vector.shape_cast %get3A_122 : vector<1x1x768xf32> to vector<768xf32>
    %broadcast_in_dim3A_124 = vector.shape_cast %get3A_123 : vector<768xf32> to vector<1x768xf32>
    %mul3A_125 = vector.broadcast %broadcast_in_dim3A_124 : vector<1x768xf32> to vector<512x768xf32>
    %mul3A_126 = arith.mulf %select_n3A_118, %mul3A_125 : vector<512x768xf32>
    %add3A_127 = arith.addf %add3A_102, %mul3A_126 : vector<512x768xf32>
    %add3A_128 = arith.constant 5 : i32
    %add3A_129 = vector.broadcast %add3A_128 : i32 to vector<512x1xi32>
    %add3A_130 = arith.addi %add3A_10, %add3A_129 : vector<512x1xi32>
    %ge3A_131 = arith.constant 4 : i32
    %ge3A_132 = vector.broadcast %ge3A_131 : i32 to vector<512x1xi32>
    %ge3A_133 = arith.cmpi sge, %add3A_130, %ge3A_132 : vector<512x1xi32>
    %lt3A_134 = arith.constant 8196 : i32
    %lt3A_135 = vector.broadcast %lt3A_134 : i32 to vector<512x1xi32>
    %lt3A_136 = arith.cmpi slt, %add3A_130, %lt3A_135 : vector<512x1xi32>
    %and3A_137 = arith.andi %ge3A_133, %lt3A_136 : vector<512x1xi1>
    %slice3A_138 = vector.extract_strided_slice %concatenate3A {offsets = [5, 0], sizes = [512, 768], strides = [1, 1]} : vector<1024x768xf32> to vector<512x768xf32>
    %jit3A_139 = arith.constant 0.000000e+00 : f32
    %broadcast_in_dim3A_140 = vector.shape_cast %and3A_137 : vector<512x1xi1> to vector<512x1xi1>
    %broadcast_in_dim3A_141 = vector.broadcast %broadcast_in_dim3A_140 : vector<512x1xi1> to vector<512x768xi1>
    %broadcast_in_dim3A_142 = vector.broadcast %jit3A_139 : f32 to vector<512x768xf32>
    %select_n3A_143 = arith.select %broadcast_in_dim3A_141, %slice3A_138, %broadcast_in_dim3A_142 : vector<512x768xi1>, vector<512x768xf32>
    %get3A_144 = arith.constant 0 : index
    %get3A_145 = arith.constant 5 : index
    %get3A_146 = arith.constant 0 : index
    %get3A_147 = vector.load %arg4[%get3A_144, %get3A_145, %get3A_146] : memref<1x8x768xf32, #tpu.memory_space<vmem>>, vector<1x1x768xf32>
    %get3A_148 = vector.shape_cast %get3A_147 : vector<1x1x768xf32> to vector<768xf32>
    %broadcast_in_dim3A_149 = vector.shape_cast %get3A_148 : vector<768xf32> to vector<1x768xf32>
    %mul3A_150 = vector.broadcast %broadcast_in_dim3A_149 : vector<1x768xf32> to vector<512x768xf32>
    %mul3A_151 = arith.mulf %select_n3A_143, %mul3A_150 : vector<512x768xf32>
    %add3A_152 = arith.addf %add3A_127, %mul3A_151 : vector<512x768xf32>
    %add3A_153 = arith.constant 6 : i32
    %add3A_154 = vector.broadcast %add3A_153 : i32 to vector<512x1xi32>
    %add3A_155 = arith.addi %add3A_10, %add3A_154 : vector<512x1xi32>
    %ge3A_156 = arith.constant 4 : i32
    %ge3A_157 = vector.broadcast %ge3A_156 : i32 to vector<512x1xi32>
    %ge3A_158 = arith.cmpi sge, %add3A_155, %ge3A_157 : vector<512x1xi32>
    %lt3A_159 = arith.constant 8196 : i32
    %lt3A_160 = vector.broadcast %lt3A_159 : i32 to vector<512x1xi32>
    %lt3A_161 = arith.cmpi slt, %add3A_155, %lt3A_160 : vector<512x1xi32>
    %and3A_162 = arith.andi %ge3A_158, %lt3A_161 : vector<512x1xi1>
    %slice3A_163 = vector.extract_strided_slice %concatenate3A {offsets = [6, 0], sizes = [512, 768], strides = [1, 1]} : vector<1024x768xf32> to vector<512x768xf32>
    %jit3A_164 = arith.constant 0.000000e+00 : f32
    %broadcast_in_dim3A_165 = vector.shape_cast %and3A_162 : vector<512x1xi1> to vector<512x1xi1>
    %broadcast_in_dim3A_166 = vector.broadcast %broadcast_in_dim3A_165 : vector<512x1xi1> to vector<512x768xi1>
    %broadcast_in_dim3A_167 = vector.broadcast %jit3A_164 : f32 to vector<512x768xf32>
    %select_n3A_168 = arith.select %broadcast_in_dim3A_166, %slice3A_163, %broadcast_in_dim3A_167 : vector<512x768xi1>, vector<512x768xf32>
    %get3A_169 = arith.constant 0 : index
    %get3A_170 = arith.constant 6 : index
    %get3A_171 = arith.constant 0 : index
    %get3A_172 = vector.load %arg4[%get3A_169, %get3A_170, %get3A_171] : memref<1x8x768xf32, #tpu.memory_space<vmem>>, vector<1x1x768xf32>
    %get3A_173 = vector.shape_cast %get3A_172 : vector<1x1x768xf32> to vector<768xf32>
    %broadcast_in_dim3A_174 = vector.shape_cast %get3A_173 : vector<768xf32> to vector<1x768xf32>
    %mul3A_175 = vector.broadcast %broadcast_in_dim3A_174 : vector<1x768xf32> to vector<512x768xf32>
    %mul3A_176 = arith.mulf %select_n3A_168, %mul3A_175 : vector<512x768xf32>
    %add3A_177 = arith.addf %add3A_152, %mul3A_176 : vector<512x768xf32>
    %add3A_178 = arith.constant 7 : i32
    %add3A_179 = vector.broadcast %add3A_178 : i32 to vector<512x1xi32>
    %add3A_180 = arith.addi %add3A_10, %add3A_179 : vector<512x1xi32>
    %ge3A_181 = arith.constant 4 : i32
    %ge3A_182 = vector.broadcast %ge3A_181 : i32 to vector<512x1xi32>
    %ge3A_183 = arith.cmpi sge, %add3A_180, %ge3A_182 : vector<512x1xi32>
    %lt3A_184 = arith.constant 8196 : i32
    %lt3A_185 = vector.broadcast %lt3A_184 : i32 to vector<512x1xi32>
    %lt3A_186 = arith.cmpi slt, %add3A_180, %lt3A_185 : vector<512x1xi32>
    %and3A_187 = arith.andi %ge3A_183, %lt3A_186 : vector<512x1xi1>
    %slice3A_188 = vector.extract_strided_slice %concatenate3A {offsets = [7, 0], sizes = [512, 768], strides = [1, 1]} : vector<1024x768xf32> to vector<512x768xf32>
    %jit3A_189 = arith.constant 0.000000e+00 : f32
    %broadcast_in_dim3A_190 = vector.shape_cast %and3A_187 : vector<512x1xi1> to vector<512x1xi1>
    %broadcast_in_dim3A_191 = vector.broadcast %broadcast_in_dim3A_190 : vector<512x1xi1> to vector<512x768xi1>
    %broadcast_in_dim3A_192 = vector.broadcast %jit3A_189 : f32 to vector<512x768xf32>
    %select_n3A_193 = arith.select %broadcast_in_dim3A_191, %slice3A_188, %broadcast_in_dim3A_192 : vector<512x768xi1>, vector<512x768xf32>
    %get3A_194 = arith.constant 0 : index
    %get3A_195 = arith.constant 7 : index
    %get3A_196 = arith.constant 0 : index
    %get3A_197 = vector.load %arg4[%get3A_194, %get3A_195, %get3A_196] : memref<1x8x768xf32, #tpu.memory_space<vmem>>, vector<1x1x768xf32>
    %get3A_198 = vector.shape_cast %get3A_197 : vector<1x1x768xf32> to vector<768xf32>
    %broadcast_in_dim3A_199 = vector.shape_cast %get3A_198 : vector<768xf32> to vector<1x768xf32>
    %mul3A_200 = vector.broadcast %broadcast_in_dim3A_199 : vector<1x768xf32> to vector<512x768xf32>
    %mul3A_201 = arith.mulf %select_n3A_193, %mul3A_200 : vector<512x768xf32>
    %add3A_202 = arith.addf %add3A_177, %mul3A_201 : vector<512x768xf32>
    %swap3A = arith.constant 0 : index
    %swap3A_203 = arith.constant 0 : index
    %swap3A_204 = arith.constant 0 : index
    %swap3A_205 = vector.load %arg5[%swap3A, %swap3A_203, %swap3A_204] : memref<1x512x768xf32, #tpu.memory_space<vmem>>, vector<1x512x768xf32>
    %swap3A_206 = vector.shape_cast %swap3A_205 : vector<1x512x768xf32> to vector<512x768xf32>
    %swap3A_207 = vector.shape_cast %add3A_202 : vector<512x768xf32> to vector<1x512x768xf32>
    tpu.vector_store %arg5[%swap3A, %swap3A_203, %swap3A_204], %swap3A_207 {strides = array<i32>} : memref<1x512x768xf32, #tpu.memory_space<vmem>>, vector<1x512x768xf32>,
    return
  }
  func.func @transform_0(%arg0: i32, %arg1: i32) -> (i32, i32, i32) {
    %c0_i32 = arith.constant 0 : i32
    %c0_i32_0 = arith.constant 0 : i32
    return %arg0, %arg1, %c0_i32 : i32, i32, i32
  }
  func.func @transform_1(%arg0: i32, %arg1: i32) -> (i32, i32, i32) {
    %add3A = arith.constant 1 : i32
    %add3A_0 = arith.addi %arg1, %add3A : i32
    %c0_i32 = arith.constant 0 : i32
    %c0_i32_1 = arith.constant 0 : i32
    return %arg0, %add3A_0, %c0_i32 : i32, i32, i32
  }
  func.func @transform_2(%arg0: i32, %arg1: i32) -> (i32, i32, i32) {
    %c0_i32 = arith.constant 0 : i32
    %c0_i32_0 = arith.constant 0 : i32
    %c0_i32_1 = arith.constant 0 : i32
    %c0_i32_2 = arith.constant 0 : i32
    return %c0_i32, %c0_i32_0, %c0_i32_1 : i32, i32, i32
  }
  func.func @transform_3(%arg0: i32, %arg1: i32) -> (i32, i32, i32) {
    %c0_i32 = arith.constant 0 : i32
    %c0_i32_0 = arith.constant 0 : i32
    return %arg0, %arg1, %c0_i32 : i32, i32, i32
  }
}

module attributes {stable_mosaic.version = 14 : i64} {
  func.func @_finale_body(%arg0: i32, %arg1: memref<1024x768xf32, #tpu.memory_space<vmem>>, %arg2: memref<1024x768xf32, #tpu.memory_space<vmem>>, %arg3: memref<1024x768xf32, #tpu.memory_space<vmem>>, %arg4: memref<768x768xbf16, #tpu.memory_space<vmem>>, %arg5: memref<768x768xbf16, #tpu.memory_space<vmem>>, %arg6: memref<1024x1xf32, #tpu.memory_space<vmem>>, %arg7: memref<1x768xf32, #tpu.memory_space<vmem>>, %arg8: memref<1x768xf32, #tpu.memory_space<vmem>>, %arg9: memref<1024x768xf32, #tpu.memory_space<vmem>>) attributes {dimension_semantics = [#tpu.dimension_semantics<arbitrary>], iteration_bounds = array<i64: 32>, scalar_prefetch = 0 : i64, scratch_operands = 0 : i64, tpu.core_type = #tpu.core_type<tc>, window_params = [{transform_indices = @transform_0, window_bounds = array<i64: 1024, 768>}, {transform_indices = @transform_1, window_bounds = array<i64: 1024, 768>}, {transform_indices = @transform_2, window_bounds = array<i64: 1024, 768>}, {pipeline_mode = #tpu.pipeline_mode<synchronous>, transform_indices = @transform_3, window_bounds = array<i64: 768, 768>}, {pipeline_mode = #tpu.pipeline_mode<synchronous>, transform_indices = @transform_4, window_bounds = array<i64: 768, 768>}, {transform_indices = @transform_5, window_bounds = array<i64: 1024, 1>}, {pipeline_mode = #tpu.pipeline_mode<synchronous>, transform_indices = @transform_6, window_bounds = array<i64: 1, 768>}, {pipeline_mode = #tpu.pipeline_mode<synchronous>, transform_indices = @transform_7, window_bounds = array<i64: 1, 768>}, {transform_indices = @transform_8, window_bounds = array<i64: 1024, 768>}]} {
    %get3A = arith.constant 0 : index
    %get3A_0 = arith.constant 0 : index
    %get3A_1 = vector.load %arg1[%get3A, %get3A_0] : memref<1024x768xf32, #tpu.memory_space<vmem>>, vector<1024x768xf32>
    %get3A_2 = arith.constant 0 : index
    %get3A_3 = arith.constant 0 : index
    %get3A_4 = vector.load %arg2[%get3A_2, %get3A_3] : memref<1024x768xf32, #tpu.memory_space<vmem>>, vector<1024x768xf32>
    %get3A_5 = arith.constant 0 : index
    %get3A_6 = arith.constant 0 : index
    %get3A_7 = vector.load %arg3[%get3A_5, %get3A_6] : memref<1024x768xf32, #tpu.memory_space<vmem>>, vector<1024x768xf32>
    %add3A = arith.addf %get3A_4, %get3A_7 : vector<1024x768xf32>
    %mul3A = arith.constant 5.000000e-01 : f32
    %mul3A_8 = vector.broadcast %mul3A : f32 to vector<1024x768xf32>
    %mul3A_9 = arith.mulf %add3A, %mul3A_8 : vector<1024x768xf32>
    %convert_element_type3A = arith.truncf %get3A_1 : vector<1024x768xf32> to vector<1024x768xbf16>
    %get3A_10 = arith.constant 0 : index
    %get3A_11 = arith.constant 0 : index
    %get3A_12 = vector.load %arg4[%get3A_10, %get3A_11] : memref<768x768xbf16, #tpu.memory_space<vmem>>, vector<768x768xbf16>
    %dot_general3A = arith.constant dense<0.000000e+00> : vector<1024x768xf32>
    %dot_general3A_13 = tpu.matmul %convert_element_type3A, %get3A_12, %dot_general3A {dimension_numbers = #tpu.dot_dimension_numbers<[1], [0], [0], [1], [0, 0, 1, 1], [], []>, transpose_lhs_hint = false} : vector<1024x768xbf16>, vector<768x768xbf16>, vector<1024x768xf32> -> vector<1024x768xf32>
    %convert_element_type3A_14 = arith.truncf %mul3A_9 : vector<1024x768xf32> to vector<1024x768xbf16>
    %get3A_15 = arith.constant 0 : index
    %get3A_16 = arith.constant 0 : index
    %get3A_17 = vector.load %arg5[%get3A_15, %get3A_16] : memref<768x768xbf16, #tpu.memory_space<vmem>>, vector<768x768xbf16>
    %dot_general3A_18 = arith.constant dense<0.000000e+00> : vector<1024x768xf32>
    %dot_general3A_19 = tpu.matmul %convert_element_type3A_14, %get3A_17, %dot_general3A_18 {dimension_numbers = #tpu.dot_dimension_numbers<[1], [0], [0], [1], [0, 0, 1, 1], [], []>, transpose_lhs_hint = false} : vector<1024x768xbf16>, vector<768x768xbf16>, vector<1024x768xf32> -> vector<1024x768xf32>
    %add3A_20 = arith.addf %dot_general3A_13, %dot_general3A_19 : vector<1024x768xf32>
    %get3A_21 = arith.constant 0 : index
    %get3A_22 = arith.constant 0 : index
    %get3A_23 = vector.load %arg6[%get3A_21, %get3A_22] : memref<1024x1xf32, #tpu.memory_space<vmem>>, vector<1024x1xf32>
    %add3A_24 = vector.broadcast %get3A_23 : vector<1024x1xf32> to vector<1024x768xf32>
    %add3A_25 = arith.addf %add3A_20, %add3A_24 : vector<1024x768xf32>
    %logistic3A = arith.negf %add3A_25 : vector<1024x768xf32>
    %logistic3A_26 = math.exp %logistic3A : vector<1024x768xf32>
    %logistic3A_27 = arith.constant 1.000000e+00 : f32
    %logistic3A_28 = vector.broadcast %logistic3A_27 : f32 to vector<1024x768xf32>
    %logistic3A_29 = arith.addf %logistic3A_28, %logistic3A_26 : vector<1024x768xf32>
    %logistic3A_30 = arith.divf %logistic3A_28, %logistic3A_29 : vector<1024x768xf32>
    %mul3A_31 = arith.mulf %logistic3A_30, %mul3A_9 : vector<1024x768xf32>
    %add3A_32 = arith.addf %get3A_1, %mul3A_31 : vector<1024x768xf32>
    %reduce_sum3A = arith.constant dense<0.000000e+00> : vector<1024xf32>
    %reduce_sum3A_33 = vector.multi_reduction <add>, %add3A_32, %reduce_sum3A [1] : vector<1024x768xf32> to vector<1024xf32>
    %broadcast_in_dim3A = vector.shape_cast %reduce_sum3A_33 : vector<1024xf32> to vector<1024x1xf32>
    %div3A = arith.constant 7.680000e+02 : f32
    %div3A_34 = vector.broadcast %div3A : f32 to vector<1024x1xf32>
    %div3A_35 = arith.divf %broadcast_in_dim3A, %div3A_34 : vector<1024x1xf32>
    %sub3A = vector.broadcast %div3A_35 : vector<1024x1xf32> to vector<1024x768xf32>
    %sub3A_36 = arith.subf %add3A_32, %sub3A : vector<1024x768xf32>
    %mul3A_37 = arith.mulf %sub3A_36, %sub3A_36 : vector<1024x768xf32>
    %reduce_sum3A_38 = arith.constant dense<0.000000e+00> : vector<1024xf32>
    %reduce_sum3A_39 = vector.multi_reduction <add>, %mul3A_37, %reduce_sum3A_38 [1] : vector<1024x768xf32> to vector<1024xf32>
    %broadcast_in_dim3A_40 = vector.shape_cast %reduce_sum3A_39 : vector<1024xf32> to vector<1024x1xf32>
    %div3A_41 = arith.constant 7.680000e+02 : f32
    %div3A_42 = vector.broadcast %div3A_41 : f32 to vector<1024x1xf32>
    %div3A_43 = arith.divf %broadcast_in_dim3A_40, %div3A_42 : vector<1024x1xf32>
    %get3A_44 = arith.constant 0 : index
    %get3A_45 = arith.constant 0 : index
    %get3A_46 = vector.load %arg7[%get3A_44, %get3A_45] : memref<1x768xf32, #tpu.memory_space<vmem>>, vector<1x768xf32>
    %mul3A_47 = vector.broadcast %get3A_46 : vector<1x768xf32> to vector<1024x768xf32>
    %mul3A_48 = arith.mulf %mul3A_47, %sub3A_36 : vector<1024x768xf32>
    %add3A_49 = arith.constant 9.99999974E-6 : f32
    %add3A_50 = vector.broadcast %add3A_49 : f32 to vector<1024x1xf32>
    %add3A_51 = arith.addf %div3A_43, %add3A_50 : vector<1024x1xf32>
    %rsqrt3A = math.rsqrt %add3A_51 : vector<1024x1xf32>
    %mul3A_52 = vector.broadcast %rsqrt3A : vector<1024x1xf32> to vector<1024x768xf32>
    %mul3A_53 = arith.mulf %mul3A_48, %mul3A_52 : vector<1024x768xf32>
    %get3A_54 = arith.constant 0 : index
    %get3A_55 = arith.constant 0 : index
    %get3A_56 = vector.load %arg8[%get3A_54, %get3A_55] : memref<1x768xf32, #tpu.memory_space<vmem>>, vector<1x768xf32>
    %add3A_57 = vector.broadcast %get3A_56 : vector<1x768xf32> to vector<1024x768xf32>
    %add3A_58 = arith.addf %mul3A_53, %add3A_57 : vector<1024x768xf32>
    %swap3A = arith.constant 0 : index
    %swap3A_59 = arith.constant 0 : index
    %swap3A_60 = vector.load %arg9[%swap3A, %swap3A_59] : memref<1024x768xf32, #tpu.memory_space<vmem>>, vector<1024x768xf32>
    tpu.vector_store %arg9[%swap3A, %swap3A_59], %add3A_58 {strides = array<i32>} : memref<1024x768xf32, #tpu.memory_space<vmem>>, vector<1024x768xf32>,
    return
  }
  func.func @transform_0(%arg0: i32) -> (i32, i32) {
    %c0_i32 = arith.constant 0 : i32
    %c0_i32_0 = arith.constant 0 : i32
    return %arg0, %c0_i32 : i32, i32
  }
  func.func @transform_1(%arg0: i32) -> (i32, i32) {
    %c0_i32 = arith.constant 0 : i32
    %c0_i32_0 = arith.constant 0 : i32
    return %arg0, %c0_i32 : i32, i32
  }
  func.func @transform_2(%arg0: i32) -> (i32, i32) {
    %c0_i32 = arith.constant 0 : i32
    %c0_i32_0 = arith.constant 0 : i32
    return %arg0, %c0_i32 : i32, i32
  }
  func.func @transform_3(%arg0: i32) -> (i32, i32) {
    %c0_i32 = arith.constant 0 : i32
    %c0_i32_0 = arith.constant 0 : i32
    %c0_i32_1 = arith.constant 0 : i32
    return %c0_i32, %c0_i32_0 : i32, i32
  }
  func.func @transform_4(%arg0: i32) -> (i32, i32) {
    %c0_i32 = arith.constant 0 : i32
    %c0_i32_0 = arith.constant 0 : i32
    %c0_i32_1 = arith.constant 0 : i32
    return %c0_i32, %c0_i32_0 : i32, i32
  }
  func.func @transform_5(%arg0: i32) -> (i32, i32) {
    %c0_i32 = arith.constant 0 : i32
    %c0_i32_0 = arith.constant 0 : i32
    return %arg0, %c0_i32 : i32, i32
  }
  func.func @transform_6(%arg0: i32) -> (i32, i32) {
    %c0_i32 = arith.constant 0 : i32
    %c0_i32_0 = arith.constant 0 : i32
    %c0_i32_1 = arith.constant 0 : i32
    return %c0_i32, %c0_i32_0 : i32, i32
  }
  func.func @transform_7(%arg0: i32) -> (i32, i32) {
    %c0_i32 = arith.constant 0 : i32
    %c0_i32_0 = arith.constant 0 : i32
    %c0_i32_1 = arith.constant 0 : i32
    return %c0_i32, %c0_i32_0 : i32, i32
  }
  func.func @transform_8(%arg0: i32) -> (i32, i32) {
    %c0_i32 = arith.constant 0 : i32
    %c0_i32_0 = arith.constant 0 : i32
    return %arg0, %c0_i32 : i32, i32
  }
}

</mosaic_0001>

<sc_bundles>
// kernel: kernel.11.cloned.1.call-start
scs
__scs_entry_jumppad:
0x0: {  	(pc) =	sbr.rel $0x88, $3  }
0x1: {  	(tag) =	ssettag $0x0;
	lr =	simm.s32 $0x1  }
0x2: {  	[smem:$0x3F9A] =	sst lr;
	_ =	strace $0xD0000000  }
0x3: {  	_ = 	snop  }
0x4: {  	_ = 	snop  }
0x5: {  	_ = 	snop  }
0x6: {  	_ = 	snop  }
0x7: {  	_ = 	snop  }
__scs_overlays_trampoline_lowered:
0x8: {  	[smem:$0x3FA9] =	sst s0  }
0x9: {  	[smem:$0x3FAA] =	sst s1  }
0xa: {  	[smem:$0x3FAB] =	sst s2  }
0xb: {  	[smem:$0x3FAC] =	sst s3  }
0xc: {  	[smem:$0x3FAD] =	sst s4  }
0xd: {  	[smem:$0x3FAE] =	sst s5  }
0xe: {  	[smem:$0x3FAF] =	sst s6  }
0xf: {  	[smem:$0x3FB0] =	sst s7  }
0x10: {  	[smem:$0x3FB1] =	sst s8  }
0x11: {  	[smem:$0x3FB2] =	sst s9;
	s0 =	simm.s32 @!p0 $0x0  }
0x12: {  	s1 =	sld [smem:$0x3F98];
	s0 =	simm.s32 @p0 $0x1  }
0x13: {  	[smem:$0x3FB3] =	sst s0;
	s0 =	simm.s32 @!p1 $0x0  }
0x14: {  	s2 =	sld [smem:$0x3F97];
	s0 =	simm.s32 @p1 $0x1  }
0x15: {  	[smem:$0x3FB4] =	sst s0;
	s0 =	simm.s32 @!p2 $0x0  }
0x16: {  	s3 =	sld [smem:$0x3FDB];
	s0 =	simm.s32 @p2 $0x1  }
0x17: {  	s4 =	simm.s32 $0x1BF5;
	[smem:$0x3FB6] =	sst s0  }
0x18: {  	s0 =	sld [smem:$0x3F99];
	_ =	swait.ge [sflag:s4], $0x0  }
0x19: {  	s7 =	sld [smem:$0x3F9A]  }
0x1a: {  	s8 =	sadd.s32 $0xFFFFE003, lr  }
0x1b: {  	s9 =	sadd.s32 $0xFFFFFEF7, lr;
	s5 =	simm.s32 $0xFFFFFFFF;
	p2 =	slt.u32 s8, $0xFFFFF086  }
0x1c: {  	p1 =	slt.u32 s9, $0xF7A;
	s5 =	simm.s32 @!p2 $0x0  }
0x1d: {  	s5 =	simm.s32 @p1 $0x1;
	p0 =	seq.s32 s7, s2  }
0x1e: {  	s7 =	smul.u32 @!p0 $0xF7A, s2;
	p2 =	seq.s32 @!p0 s5, $0x0  }
0x1f: {  	s9 =	smul.u32 $0xF7A, s1;
	s8 =	simm.s32 @!p0 $0x1BF5;
	p2 =	por !p2, p0  }
0x20: {  	[sflag:s8] =	ssyncset.s32 @!p0 $0xFFFFF086;
	s6 =	sadd.s32 @!p0 s3, s7;
	s7 =	simm.s32 @!p0 $0x108  }
0x21: {  	s3 =	sadd.s32 s3, s9;
	s6 =	sadd.s32 @!p0 $0x88, s6;
	s7 =	simm.s32 @p2 $0x1082  }
0x22: {  	[simem:s7], [sflag:s8] =	dma.local @!p0 [hbm:s6], $0xF7A  }
0x23: {  	s9 =	sor.u32 $0xD0000000, s2;
	s6 =	simm.s32 $0x108;
	_ =	swait.ge @!p0 [sflag:s8], $0x0  }
0x24: {  	s3 =	sadd.s32 $0x88, s3;
	s6 =	simm.s32 @!p1 $0x1082;
	[sflag:s4] =	ssyncset.s32 $0xFFFFF086  }
0x25: {  	[simem:s6], [sflag:s4] =	dma.local [hbm:s3], $0xF7A  }
0x26: {  	[smem:$0x3F9A] =	sst s1;
	(tag) =	ssettag s2;
	_ =	strace s9  }
0x27: {  	s1 =	sld [smem:$0x3FAA]  }
0x28: {  	s2 =	sld [smem:$0x3FAB]  }
0x29: {  	s4 =	sld [smem:$0x3FAD]  }
0x2a: {  	p0 =	seq.s32 s5, $0x0;
	s5 =	sld [smem:$0x3FAE]  }
0x2b: {  	s6 =	sld [smem:$0x3FAF]  }
0x2c: {  	s7 =	sld [smem:$0x3FB0]  }
0x2d: {  	s3 =	simm.s32 $0x108;
	s8 =	sld [smem:$0x3FB1]  }
0x2e: {  	s3 =	simm.s32 @!p0 $0x1082;
	s9 =	sld [smem:$0x3FB2]  }
0x2f: {  	lr =	sadd.s32 s0, s3;
	s0 =	sld [smem:$0x3FA9]  }
0x30: {  	s3 =	sld [smem:$0x3FAC]  }
0x31: {  	[smem:$0x3FB5] =	sst s10  }
0x32: {  	s10 =	sld [smem:$0x3FB3];
	_ =	sdelay $0x3  }
0x33: {  	p0 =	seq.s32 s10, $0x1;
	s10 =	sld [smem:$0x3FB5];
	_ =	sdelay $0x3  }
0x34: {  	[smem:$0x3FB5] =	sst s10  }
0x35: {  	s10 =	sld [smem:$0x3FB4];
	_ =	sdelay $0x3  }
0x36: {  	p1 =	seq.s32 s10, $0x1;
	s10 =	sld [smem:$0x3FB5];
	_ =	sdelay $0x3  }
0x37: {  	[smem:$0x3FB5] =	sst s10  }
0x38: {  	s10 =	sld [smem:$0x3FB6]  }
0x39: {  	_ = 	snop;
	(pc) =	sbr.ind lr, $3  }
0x3a: {  	_ = 	snop  }
0x3b: {  	_ = 	snop  }
0x3c: {  	p2 =	seq.s32 s10, $0x1;
	s10 =	sld [smem:$0x3FB5]  }
0x3d: {  	_ =	shalt  }
0x3e: {  	_ =	shalt  }
0x3f: {  	_ =	shalt  }
0x40: {  	_ =	shalt  }
0x41: {  	_ =	shalt  }
0x42: {  	_ =	shalt  }
0x43: {  	_ =	shalt  }
0x44: {  	_ =	shalt  }
0x45: {  	_ =	shalt  }
0x46: {  	_ =	shalt  }
0x47: {  	_ =	shalt  }
0x48: {  	_ =	shalt  }
0x49: {  	_ =	shalt  }
0x4a: {  	_ =	shalt  }
0x4b: {  	_ =	shalt  }
0x4c: {  	_ =	shalt  }
0x4d: {  	_ =	shalt  }
0x4e: {  	_ =	shalt  }
0x4f: {  	_ =	shalt  }
0x50: {  	_ =	shalt  }
0x51: {  	_ =	shalt  }
0x52: {  	_ =	shalt  }
0x53: {  	_ =	shalt  }
0x54: {  	_ =	shalt  }
0x55: {  	_ =	shalt  }
0x56: {  	_ =	shalt  }
0x57: {  	_ =	shalt  }
0x58: {  	_ =	shalt  }
0x59: {  	_ =	shalt  }
0x5a: {  	_ =	shalt  }
0x5b: {  	_ =	shalt  }
0x5c: {  	_ =	shalt  }
0x5d: {  	_ =	shalt  }
0x5e: {  	_ =	shalt  }
0x5f: {  	_ =	shalt  }
0x60: {  	_ =	shalt  }
0x61: {  	_ =	shalt  }
0x62: {  	_ =	shalt  }
0x63: {  	_ =	shalt  }
0x64: {  	_ =	shalt  }
0x65: {  	_ =	shalt  }
0x66: {  	_ =	shalt  }
0x67: {  	_ =	shalt  }
0x68: {  	_ =	shalt  }
0x69: {  	_ =	shalt  }
0x6a: {  	_ =	shalt  }
0x6b: {  	_ =	shalt  }
0x6c: {  	_ =	shalt  }
0x6d: {  	_ =	shalt  }
0x6e: {  	_ =	shalt  }
0x6f: {  	_ =	shalt  }
0x70: {  	_ =	shalt  }
0x71: {  	_ =	shalt  }
0x72: {  	_ =	shalt  }
0x73: {  	_ =	shalt  }
0x74: {  	_ =	shalt  }
0x75: {  	_ =	shalt  }
0x76: {  	_ =	shalt  }
0x77: {  	_ =	shalt  }
0x78: {  	_ =	shalt  }
0x79: {  	_ =	shalt  }
0x7a: {  	_ =	shalt  }
0x7b: {  	_ =	shalt  }
0x7c: {  	_ =	shalt  }
0x7d: {  	_ =	shalt  }
0x7e: {  	_ =	shalt  }
0x7f: {  	_ =	shalt  }
0x80: {  	_ =	shalt  }
0x81: {  	_ =	shalt  }
0x82: {  	_ =	shalt  }
0x83: {  	_ =	shalt  }
0x84: {  	_ =	shalt  }
0x85: {  	_ =	shalt  }
0x86: {  	_ =	shalt  }
0x87: {  	_ =	shalt  }
.Lfunc_end0:
.L_simem_size_0:
called_computation_lowered:
.L_overlay_start_0:
0x88: {  	s2 =	sld [smem:$0x3FD9]  }
0x89: {  	s3 =	sld [smem:$0x3FFE];
	_ =	sdelay $0x1  }
0x8a: {  	s1 =	srdreg.scid  }
0x8b: {  	s0 =	sand.u32 $0x1, s1  }
0x8c: {  	s17 =	sshll.u32 s0, $0xA;
	s2 =	sadd.s32 s3, s2  }
0x8d: {  	s2 =	sadd.s32 s2, s17  }
0x8e: {  	[smem:$0x3FC1] =	sst s2  }
0x8f: {  	_ = 	snop  }
0x90: {  	s18 =	sld [smem:$0x3FC9]  }
0x91: {  	s4 =	sld [smem:$0x3FD0];
	(tm) =	ssettm $0x1  }
0x92: {  	s19 =	sld [smem:$0x3FFB];
	_ =	sdelay $0x3  }
0x93: {  	_ =	strace s19  }
0x94: {  	s2 =	sld [smem:$0x3FFC];
	_ =	sdelay $0x3  }
0x95: {  	_ =	strace s2  }
0x96: {  	s2 =	sld [smem:$0x3FFD];
	_ =	sdelay $0x3  }
0x97: {  	_ =	strace s2  }
0x98: {  	_ =	strace $0x8FFFFFFF  }
0x99: {  	s20 =	sld [smem:$0x3FDB];
	_ =	sdelay $0x1  }
0x9a: {  	s5 =	simm.s32 $_scs_section_size  }
0x9b: {  	s6 =	simm.s32 $_size__tile_overlayer_lowered;
	s7 =	simm.s32 $_tile_overlayer_lowered  }
0x9c: {  	s8 =	simm.s32 $0x1BFF;
	s21 =	sshll.u32 s7, $0x1;
	s5 =	sadd.s32 s5, s20  }
0x9d: {  	s22 =	simm.s32 $0x0;
	s6 =	sshll.u32 s6, $0x1;
	s7 =	sadd.s32 s21, s5  }
0x9e: {  	[timem:s22], [sflag:s8] =	dma.local [hbm:s7], s6  }
0x9f: {  	_ =	swait.ge [sflag:s8], s6  }
0xa0: {  	s6 =	ssub.s32 $0x0, s6;
	[sflag:s8] =	ssyncset.done $0x0  }
0xa1: {  	[sflag:s8] =	ssyncadd.s32 s6;
	_ =	sdelay $0x1  }
0xa2: {  	s23 =	simm.s32 $0x1B8B  }
0xa3: {  	_ =	swait.ge [sflag:s23], $0x1  }
0xa4: {  	[sflag:s23] =	ssyncset.done $0x0  }
0xa5: {  	[sflag:s23] =	ssyncadd.s32 $0xFFFFFFFF  }
0xa6: {  	s6 =	sld [smem:$0x0]  }
0xa7: {  	s7 =	sand.u32 $0xFFFFFFFE, s1  }
0xa8: {  	p0 =	sne.s32 s1, s7  }
0xa9: {  	s7 =	sshll.u32 @p0 s7, $0xE  }
0xaa: {  	s7 =	sadd.s32 @p0 $0x11B8D, s7;
	s8 =	sshll.u32 @p0 s6, $0x11  }
0xab: {  	s7 =	sor.u32 @p0 s8, s7  }
0xac: {  	[sflag:s7] =	ssyncadd.remote.s32 @p0 $0x1;
	_ =	sdelay $0x1  }
0xad: {  	s7 =	simm.s32 @p0 $0x1B8D  }
0xae: {  	_ =	swait.eq @p0 [sflag:s7], $0x1  }
0xaf: {  	[sflag:s7] =	ssyncadd.s32 @p0 $0xFFFFFFFF  }
0xb0: {  	s8 =	sshll.u32 @!p0 s1, $0xE  }
0xb1: {  	s8 =	sor.u32 @!p0 $0x4000, s8;
	s7 =	simm.s32 @!p0 $0x1B8D  }
0xb2: {  	s6 =	sshll.u32 @!p0 s6, $0x11;
	s8 =	sadd.s32 @!p0 $0x11B8D, s8;
	_ =	swait.eq @!p0 [sflag:s7], $0x1  }
0xb3: {  	s6 =	sor.u32 @!p0 s6, s8;
	[sflag:s7] =	ssyncadd.s32 @!p0 $0xFFFFFFFF  }
0xb4: {  	s25 =	simm.s32 $0x1B8E;
	s24 =	sld [smem:$0x3FFE];
	[sflag:s6] =	ssyncadd.remote.s32 @!p0 $0x1  }
0xb5: {  	s26 =	simm.s32 $execute0_lowered;
	[smem:$0x3FD2] =	sst s25  }
0xb6: {  	s7 =	sshll.u32 s26, $0x1;
	_ =	strace $0x80000049;
	[dreg:$0x1] =	wrdreg $0xFFFFFFFF  }
0xb7: {  	s28 =	simm.s32 $_size_execute0_lowered;
	s5 =	sadd.s32 s5, s7;
	[dreg:$0x0] =	wrdreg $0x0  }
0xb8: {  	s7 =	sshll.u32 s28, $0x1;
	[dreg:$0x2] =	wrdreg s5  }
0xb9: {  	[dreg:$0x3] =	wrdreg s7  }
0xba: {  	[dreg:$0x4] =	wrdreg $0xC0  }
0xbb: {  	_ =	task [dreg:s22], $0x5FFFF  }
0xbc: {  	[dreg:$0x1] =	wrdreg $0xFFFFFFFF  }
0xbd: {  	[dreg:$0x0] =	wrdreg $0x60  }
0xbe: {  	[dreg:$0x2] =	wrdreg s18  }
0xbf: {  	[dreg:$0x3] =	wrdreg s4  }
0xc0: {  	[dreg:$0x4] =	wrdreg s24  }
0xc1: {  	[dreg:$0x5] =	wrdreg $0x9  }
0xc2: {  	_ =	task.clear_ibuf [dreg:s22], $0x6FFFF;
	_ =	strace $0x90000049  }
0xc3: {  	s29 =	simm.s32 $0x9;
	_ =	strace $0x8000004B  }
0xc4: {  	_ =	swait.ge [sflag:s29], $0x1  }
0xc5: {  	[sflag:s29] =	ssyncadd.s32 $0xFFFFFFFF  }
0xc6: {  	_ =	strace $0x9000004B  }
0xc7: {  	_ =	sfence  }
0xc8: {  	s30 =	sld [smem:$0x0];
	_ =	sdelay $0x2  }
0xc9: {  	s31 =	sshll.u32 s1, $0xD;
	s1 =	sshrl.u32 s1, $0x2  }
0xca: {  	s4 =	sand.u32 $0x4000, s31;
	s1 =	sadd.s32 s1, s30  }
0xcb: {  	s0 =	sor.u32 s4, s0;
	s1 =	sshll.u32 s1, $0x11  }
0xcc: {  	s0 =	sor.u32 s1, s0  }
0xcd: {  	s0 =	sadd.s32 $0x8F2B, s0  }
0xce: {  	[sflag:s0] =	ssyncadd.remote.s32 $0x1  }
0xcf: {  	_ =	sfence.sel $0xFFFF  }
0xd0: {  	[dreg:$0x0] =	wrdreg $0xFFFFFFFF;
	(pc) =	sbr.abs _section_cstart, $3  }
0xd1: {  	[dreg:$0x1] =	wrdreg $0xFFFFFFFF  }
0xd2: {  	_ =	task.clear_ibuf [dreg:s22], $0x2FFFF;
	_ =	strace $0x9FFFFFFF  }
0xd3: {  	(tm) =	ssettm $0x7FFFFFFF  }
tec
execute0_lowered:
.L_overlay_start_1:
0x0: {  	(tag) =	ssettag $0x1  }
0x1: {  	s0 =	rddreg [dreg:$0x0]  }
0x2: {  	s3 =	rddreg [dreg:$0x1]  }
0x3: {  	s5 =	rddreg [dreg:$0x2];
	s2 =	simm.s32 $0x0  }
0x4: {  	s19 =	simm.s32 $0x880;
	[smem:$0x7FF] =	sst s2  }
0x5: {  	s20 =	simm.s32 $0x1080;
	_ =	strace $0x8000004A;
	[dreg:$0x5] =	wrdreg s19  }
0x6: {  	s21 =	simm.s32 $0x1880;
	[dreg:$0x6] =	wrdreg s20  }
0x7: {  	s22 =	simm.s32 $0x2080;
	[dreg:$0x7] =	wrdreg s21  }
0x8: {  	s23 =	simm.s32 $0x2880;
	[dreg:$0x8] =	wrdreg s22  }
0x9: {  	s24 =	simm.s32 $0x3080;
	[dreg:$0x9] =	wrdreg s23  }
0xa: {  	s25 =	simm.s32 $0x3880;
	[dreg:$0xa] =	wrdreg s24  }
0xb: {  	s1 =	srdreg.scid;
	s26 =	simm.s32 $0x4080;
	[dreg:$0xb] =	wrdreg s25  }
0xc: {  	s8 =	stileid.u32;
	s7 =	simm.s32 $0x5880;
	[dreg:$0xc] =	wrdreg s26  }
0xd: {  	s9 =	simm.s32 $0x6080;
	s10 =	simm.s32 $0x6880;
	[dreg:$0xf] =	wrdreg s7  }
0xe: {  	s11 =	simm.s32 $0x7080;
	s12 =	simm.s32 $0x7880;
	[dreg:$0x10] =	wrdreg s9  }
0xf: {  	s13 =	simm.s32 $0x8080;
	s14 =	simm.s32 $0x8880;
	[dreg:$0x11] =	wrdreg s10  }
0x10: {  	s15 =	simm.s32 $0x9080;
	s17 =	simm.s32 $0x9880;
	[dreg:$0x12] =	wrdreg s11  }
0x11: {  	s18 =	simm.s32 $0xA080;
	s28 =	simm.s32 $0x17080;
	[dreg:$0x13] =	wrdreg s12  }
0x12: {  	s29 =	simm.s32 $0x17880;
	s30 =	simm.s32 $0x1;
	[dreg:$0x14] =	wrdreg s13  }
0x13: {  	s31 =	simm.s32 $0x0;
	s1 =	sand.u32 $0x1, s1;
	[dreg:$0x15] =	wrdreg s14  }
0x14: {  	s4 =	sshll.u32 s8, $0x8;
	s8 =	smul.u32 $0x30000, s8;
	[dreg:$0x16] =	wrdreg s15  }
0x15: {  	s6 =	sshll.u32 s1, $0x7;
	s3 =	sadd.s32 s4, s3;
	[dreg:$0x17] =	wrdreg s17  }
0x16: {  	s4 =	simm.s32 $0x4880;
	s16 =	ssub.s32 $0x2, s1;
	[dreg:$0x18] =	wrdreg s18  }
0x17: {  	s19 =	simm.s32 $0xA880;
	s20 =	simm.s32 $0xB080;
	s21 =	simm.s32 $0xB880  }
0x18: {  	s22 =	simm.s32 $0xC080;
	s23 =	simm.s32 $0xC880;
	s1 =	smul.u32 $0x18000, s1  }
0x19: {  	s24 =	simm.s32 $0xD080;
	s25 =	simm.s32 $0xD880;
	[dreg:$0xd] =	wrdreg s4  }
0x1a: {  	s26 =	simm.s32 $0xE080;
	s9 =	simm.s32 $0x80;
	[dreg:$0x19] =	wrdreg s19  }
0x1b: {  	s10 =	simm.s32 $0xE880;
	s11 =	simm.s32 $0xF080;
	[dreg:$0x1a] =	wrdreg s20  }
0x1c: {  	s12 =	simm.s32 $0xF880;
	s13 =	simm.s32 $0x10080;
	[dreg:$0x1b] =	wrdreg s21  }
0x1d: {  	s14 =	simm.s32 $0x10880;
	s15 =	simm.s32 $0x11080;
	[dreg:$0x1c] =	wrdreg s22  }
0x1e: {  	s17 =	simm.s32 $0x12080;
	s18 =	simm.s32 $0x12880;
	[dreg:$0x1d] =	wrdreg s23  }
0x1f: {  	s3 =	sadd.s32 s6, s3;
	s6 =	simm.s32 $0x5080;
	[dreg:$0x1e] =	wrdreg s24  }
0x20: {  	s7 =	sshrl.u32 s16, $0x1;
	s4 =	sadd.s32 $0x335900, s5;
	[dreg:$0x1f] =	wrdreg s25  }
0x21: {  	s0 =	sadd.s32 s8, s0;
	s8 =	simm.s32 $0x2;
	[smem:$0x7FD] =	sst s26  }
0x22: {  	s19 =	simm.s32 $0x13080;
	s20 =	simm.s32 $0x13880;
	s21 =	simm.s32 $0x14080  }
0x23: {  	s22 =	simm.s32 $0x14880;
	s23 =	simm.s32 $0x15080;
	s24 =	simm.s32 $0x15880  }
0x24: {  	s25 =	simm.s32 $0x16080;
	s26 =	simm.s32 $0x16880;
	[dreg:$0x4] =	wrdreg s3  }
0x25: {  	v2 =	vlaneseq.u32;
	[dreg:$0xe] =	wrdreg s6;
	s6 =	ssub.s32 s16, s7;
	s0 =	sadd.s32 s1, s0  }
0x26: {  	vm0 =	vmmov $0xffff;
	v1 =	vshrl.u32 v2, $0x3;
	s3 =	sadd.s32 $0x335800, s5;
	s6 =	smax.u32 s6, $0x1;
	[smem:$0x7FC] =	sst s0  }
0x27: {  	v0 =	vand.u32 $0x7, v2;
	v2 =	vor.u32 $0x8, v2;
	v1 =	vmul.u32 $0x8, v1;
	s5 =	sadd.s32 $0x335A00, s5;
	s16 =	simm.s32 $0x11880;
	[smem:$0x7FB] =	sst s6  }
.LBB2_1:
0x28: {  	s7 =	sld [smem:$0x7FC];
	s1 =	simm.s32 $0x0  }
.LBB2_2:
0x29: {  	s6 =	rddreg [dreg:$0x4]  }
0x2a: {  	s6 =	sadd.s32 s1, s6  }
0x2b: {  	[tilespmem:s2], [sflag:$0x2] =	stream.linear.gather [hbm4b:s6+s2], $0x80, $0x38;
	[tilespmem:$0x18080] =	vst v63  }
0x2c: {  	_ =	swait.ge [sflag:s8], $0x80  }
0x2d: {  	[sflag:s8] =	ssyncset.done $0x0  }
0x2e: {  	[sflag:s8] =	ssyncadd.s32 $0xFFFFFF80  }
0x2f: {  	[tilespmem:s9], [sflag:$0x2] =	stream.linear.gather [hbm4b:s7+s2], $0x18000, $0x38;
	[tilespmem:$0x18080] =	vst v63  }
0x30: {  	_ =	swait.ge [sflag:s8], $0x18000  }
0x31: {  	[sflag:s8] =	ssyncset.done $0x0  }
0x32: {  	[sflag:s8] =	ssyncadd.s32 $0xFFFE8000  }
0x33: {  	v3 =	vld [tilespmem:$0x0];
	_ =	sdelay $0x4  }
0x34: {  	v4 =	vshrl.u32 v3, $0x3  }
0x35: {  	v4 =	vmul.u32 $0x30, v4  }
0x36: {  	v3 =	vand.u32 $0x7, v3  }
0x37: {  	v3 =	vor.u32 v3, v4  }
0x38: {  	v4 =	vperm.xlane v3, v0;
	_ =	sdelay $0x1  }
0x39: {  	v4 =	vadd.s32 v1, v4;
	_ =	sdelay $0x3  }
0x3a: {  	v3 =	vperm.xlane v3, v2  }
0x3b: {  	[hbm4b:s3+s2] =	stream.indirect_vreg.scatter [tilespmem:s9], [sflag:$0x1], $0x80, v4, vm0, $0xb8;
	[tilespmem:$0x18080] =	vst v63  }
0x3c: {  	s6 =	rddreg [dreg:$0x5];
	v3 =	vadd.s32 v1, v3  }
0x3d: {  	[hbm4b:s4+s2] =	stream.indirect_vreg.scatter [tilespmem:s6], [sflag:$0x1], $0x80, v4, vm0, $0xb8;
	[tilespmem:$0x18080] =	vst v63  }
0x3e: {  	s0 =	rddreg [dreg:$0x6]  }
0x3f: {  	[hbm4b:s5+s2] =	stream.indirect_vreg.scatter [tilespmem:s0], [sflag:$0x1], $0x80, v4, vm0, $0xb8;
	[tilespmem:$0x18080] =	vst v63  }
0x40: {  	s6 =	rddreg [dreg:$0x7]  }
0x41: {  	[hbm4b:s3+s2] =	stream.indirect_vreg.scatter [tilespmem:s6], [sflag:$0x1], $0x80, v3, vm0, $0xb8;
	[tilespmem:$0x18080] =	vst v63  }
0x42: {  	s0 =	rddreg [dreg:$0x8]  }
0x43: {  	[hbm4b:s4+s2] =	stream.indirect_vreg.scatter [tilespmem:s0], [sflag:$0x1], $0x80, v3, vm0, $0xb8;
	[tilespmem:$0x18080] =	vst v63  }
0x44: {  	s6 =	rddreg [dreg:$0x9]  }
0x45: {  	[hbm4b:s5+s2] =	stream.indirect_vreg.scatter [tilespmem:s6], [sflag:$0x1], $0x80, v3, vm0, $0xb8;
	[tilespmem:$0x18080] =	vst v63  }
0x46: {  	v3 =	vld [tilespmem:$0x10];
	_ =	sdelay $0x4  }
0x47: {  	v57 =	vshrl.u32 v3, $0x3  }
0x48: {  	v4 =	vmul.u32 $0x30, v57  }
0x49: {  	v3 =	vand.u32 $0x7, v3  }
0x4a: {  	v3 =	vor.u32 v3, v4  }
0x4b: {  	v4 =	vperm.xlane v3, v0;
	_ =	sdelay $0x1  }
0x4c: {  	v4 =	vadd.s32 v1, v4;
	_ =	sdelay $0x3  }
0x4d: {  	s0 =	rddreg [dreg:$0xa];
	v3 =	vperm.xlane v3, v2  }
0x4e: {  	[hbm4b:s3+s2] =	stream.indirect_vreg.scatter [tilespmem:s0], [sflag:$0x1], $0x80, v4, vm0, $0xb8;
	[tilespmem:$0x18080] =	vst v63  }
0x4f: {  	s6 =	rddreg [dreg:$0xb];
	v3 =	vadd.s32 v1, v3  }
0x50: {  	[hbm4b:s4+s2] =	stream.indirect_vreg.scatter [tilespmem:s6], [sflag:$0x1], $0x80, v4, vm0, $0xb8;
	[tilespmem:$0x18080] =	vst v63  }
0x51: {  	s0 =	rddreg [dreg:$0xc]  }
0x52: {  	[hbm4b:s5+s2] =	stream.indirect_vreg.scatter [tilespmem:s0], [sflag:$0x1], $0x80, v4, vm0, $0xb8;
	[tilespmem:$0x18080] =	vst v63  }
0x53: {  	s6 =	rddreg [dreg:$0xd]  }
0x54: {  	[hbm4b:s3+s2] =	stream.indirect_vreg.scatter [tilespmem:s6], [sflag:$0x1], $0x80, v3, vm0, $0xb8;
	[tilespmem:$0x18080] =	vst v63  }
0x55: {  	s0 =	rddreg [dreg:$0xe]  }
0x56: {  	[hbm4b:s4+s2] =	stream.indirect_vreg.scatter [tilespmem:s0], [sflag:$0x1], $0x80, v3, vm0, $0xb8;
	[tilespmem:$0x18080] =	vst v63  }
0x57: {  	s6 =	rddreg [dreg:$0xf]  }
0x58: {  	[hbm4b:s5+s2] =	stream.indirect_vreg.scatter [tilespmem:s6], [sflag:$0x1], $0x80, v3, vm0, $0xb8;
	[tilespmem:$0x18080] =	vst v63  }
0x59: {  	v3 =	vld [tilespmem:$0x20];
	_ =	sdelay $0x4  }
0x5a: {  	v58 =	vshrl.u32 v3, $0x3  }
0x5b: {  	v4 =	vmul.u32 $0x30, v58  }
0x5c: {  	v3 =	vand.u32 $0x7, v3  }
0x5d: {  	v3 =	vor.u32 v3, v4  }
0x5e: {  	v4 =	vperm.xlane v3, v0;
	_ =	sdelay $0x1  }
0x5f: {  	v4 =	vadd.s32 v1, v4;
	_ =	sdelay $0x3  }
0x60: {  	s0 =	rddreg [dreg:$0x10];
	v3 =	vperm.xlane v3, v2  }
0x61: {  	[hbm4b:s3+s2] =	stream.indirect_vreg.scatter [tilespmem:s0], [sflag:$0x1], $0x80, v4, vm0, $0xb8;
	[tilespmem:$0x18080] =	vst v63  }
0x62: {  	s6 =	rddreg [dreg:$0x11];
	v3 =	vadd.s32 v1, v3  }
0x63: {  	[hbm4b:s4+s2] =	stream.indirect_vreg.scatter [tilespmem:s6], [sflag:$0x1], $0x80, v4, vm0, $0xb8;
	[tilespmem:$0x18080] =	vst v63  }
0x64: {  	s0 =	rddreg [dreg:$0x12]  }
0x65: {  	[hbm4b:s5+s2] =	stream.indirect_vreg.scatter [tilespmem:s0], [sflag:$0x1], $0x80, v4, vm0, $0xb8;
	[tilespmem:$0x18080] =	vst v63  }
0x66: {  	s6 =	rddreg [dreg:$0x13]  }
0x67: {  	[hbm4b:s3+s2] =	stream.indirect_vreg.scatter [tilespmem:s6], [sflag:$0x1], $0x80, v3, vm0, $0xb8;
	[tilespmem:$0x18080] =	vst v63  }
0x68: {  	s0 =	rddreg [dreg:$0x14]  }
0x69: {  	[hbm4b:s4+s2] =	stream.indirect_vreg.scatter [tilespmem:s0], [sflag:$0x1], $0x80, v3, vm0, $0xb8;
	[tilespmem:$0x18080] =	vst v63  }
0x6a: {  	s6 =	rddreg [dreg:$0x15]  }
0x6b: {  	[hbm4b:s5+s2] =	stream.indirect_vreg.scatter [tilespmem:s6], [sflag:$0x1], $0x80, v3, vm0, $0xb8;
	[tilespmem:$0x18080] =	vst v63  }
0x6c: {  	v3 =	vld [tilespmem:$0x30];
	_ =	sdelay $0x4  }
0x6d: {  	v59 =	vshrl.u32 v3, $0x3  }
0x6e: {  	v4 =	vmul.u32 $0x30, v59  }
0x6f: {  	v3 =	vand.u32 $0x7, v3  }
0x70: {  	v3 =	vor.u32 v3, v4  }
0x71: {  	v4 =	vperm.xlane v3, v0;
	_ =	sdelay $0x1  }
0x72: {  	v4 =	vadd.s32 v1, v4;
	_ =	sdelay $0x3  }
0x73: {  	s0 =	rddreg [dreg:$0x16];
	v3 =	vperm.xlane v3, v2  }
0x74: {  	[hbm4b:s3+s2] =	stream.indirect_vreg.scatter [tilespmem:s0], [sflag:$0x1], $0x80, v4, vm0, $0xb8;
	[tilespmem:$0x18080] =	vst v63  }
0x75: {  	s6 =	rddreg [dreg:$0x17];
	v3 =	vadd.s32 v1, v3  }
0x76: {  	[hbm4b:s4+s2] =	stream.indirect_vreg.scatter [tilespmem:s6], [sflag:$0x1], $0x80, v4, vm0, $0xb8;
	[tilespmem:$0x18080] =	vst v63  }
0x77: {  	s0 =	rddreg [dreg:$0x18]  }
0x78: {  	[hbm4b:s5+s2] =	stream.indirect_vreg.scatter [tilespmem:s0], [sflag:$0x1], $0x80, v4, vm0, $0xb8;
	[tilespmem:$0x18080] =	vst v63  }
0x79: {  	s6 =	rddreg [dreg:$0x19]  }
0x7a: {  	[hbm4b:s3+s2] =	stream.indirect_vreg.scatter [tilespmem:s6], [sflag:$0x1], $0x80, v3, vm0, $0xb8;
	[tilespmem:$0x18080] =	vst v63  }
0x7b: {  	s0 =	rddreg [dreg:$0x1a]  }
0x7c: {  	[hbm4b:s4+s2] =	stream.indirect_vreg.scatter [tilespmem:s0], [sflag:$0x1], $0x80, v3, vm0, $0xb8;
	[tilespmem:$0x18080] =	vst v63  }
0x7d: {  	s6 =	rddreg [dreg:$0x1b]  }
0x7e: {  	[hbm4b:s5+s2] =	stream.indirect_vreg.scatter [tilespmem:s6], [sflag:$0x1], $0x80, v3, vm0, $0xb8;
	[tilespmem:$0x18080] =	vst v63  }
0x7f: {  	v3 =	vld [tilespmem:$0x40];
	_ =	sdelay $0x4  }
0x80: {  	v60 =	vshrl.u32 v3, $0x3  }
0x81: {  	v4 =	vmul.u32 $0x30, v60  }
0x82: {  	v3 =	vand.u32 $0x7, v3  }
0x83: {  	v3 =	vor.u32 v3, v4  }
0x84: {  	v4 =	vperm.xlane v3, v0;
	_ =	sdelay $0x1  }
0x85: {  	v4 =	vadd.s32 v1, v4;
	_ =	sdelay $0x2  }
0x86: {  	s0 =	rddreg [dreg:$0x1c]  }
0x87: {  	s6 =	rddreg [dreg:$0x1d];
	v3 =	vperm.xlane v3, v2  }
0x88: {  	[hbm4b:s3+s2] =	stream.indirect_vreg.scatter [tilespmem:s0], [sflag:$0x1], $0x80, v4, vm0, $0xb8;
	[tilespmem:$0x18080] =	vst v63  }
0x89: {  	v3 =	vadd.s32 v1, v3;
	s0 =	rddreg [dreg:$0x1e]  }
0x8a: {  	[hbm4b:s4+s2] =	stream.indirect_vreg.scatter [tilespmem:s6], [sflag:$0x1], $0x80, v4, vm0, $0xb8;
	[tilespmem:$0x18080] =	vst v63  }
0x8b: {  	s6 =	rddreg [dreg:$0x1f]  }
0x8c: {  	[hbm4b:s5+s2] =	stream.indirect_vreg.scatter [tilespmem:s0], [sflag:$0x1], $0x80, v4, vm0, $0xb8;
	[tilespmem:$0x18080] =	vst v63  }
0x8d: {  	s0 =	sld [smem:$0x7FD]  }
0x8e: {  	[hbm4b:s3+s2] =	stream.indirect_vreg.scatter [tilespmem:s6], [sflag:$0x1], $0x80, v3, vm0, $0xb8;
	[tilespmem:$0x18080] =	vst v63  }
0x8f: {  	_ = 	snop  }
0x90: {  	[hbm4b:s4+s2] =	stream.indirect_vreg.scatter [tilespmem:s0], [sflag:$0x1], $0x80, v3, vm0, $0xb8;
	[tilespmem:$0x18080] =	vst v63  }
0x91: {  	_ = 	snop  }
0x92: {  	[hbm4b:s5+s2] =	stream.indirect_vreg.scatter [tilespmem:s10], [sflag:$0x1], $0x80, v3, vm0, $0xb8;
	[tilespmem:$0x18080] =	vst v63  }
0x93: {  	v3 =	vld [tilespmem:$0x50];
	_ =	sdelay $0x4  }
0x94: {  	v61 =	vshrl.u32 v3, $0x3  }
0x95: {  	v4 =	vmul.u32 $0x30, v61  }
0x96: {  	v3 =	vand.u32 $0x7, v3  }
0x97: {  	v3 =	vor.u32 v3, v4  }
0x98: {  	v4 =	vperm.xlane v3, v0;
	_ =	sdelay $0x1  }
0x99: {  	v4 =	vadd.s32 v1, v4;
	_ =	sdelay $0x3  }
0x9a: {  	v3 =	vperm.xlane v3, v2  }
0x9b: {  	[hbm4b:s3+s2] =	stream.indirect_vreg.scatter [tilespmem:s11], [sflag:$0x1], $0x80, v4, vm0, $0xb8;
	[tilespmem:$0x18080] =	vst v63  }
0x9c: {  	v3 =	vadd.s32 v1, v3  }
0x9d: {  	[hbm4b:s4+s2] =	stream.indirect_vreg.scatter [tilespmem:s12], [sflag:$0x1], $0x80, v4, vm0, $0xb8;
	[tilespmem:$0x18080] =	vst v63  }
0x9e: {  	_ = 	snop  }
0x9f: {  	[hbm4b:s5+s2] =	stream.indirect_vreg.scatter [tilespmem:s13], [sflag:$0x1], $0x80, v4, vm0, $0xb8;
	[tilespmem:$0x18080] =	vst v63  }
0xa0: {  	_ = 	snop  }
0xa1: {  	[hbm4b:s3+s2] =	stream.indirect_vreg.scatter [tilespmem:s14], [sflag:$0x1], $0x80, v3, vm0, $0xb8;
	[tilespmem:$0x18080] =	vst v63  }
0xa2: {  	_ = 	snop  }
0xa3: {  	[hbm4b:s4+s2] =	stream.indirect_vreg.scatter [tilespmem:s15], [sflag:$0x1], $0x80, v3, vm0, $0xb8;
	[tilespmem:$0x18080] =	vst v63  }
0xa4: {  	_ = 	snop  }
0xa5: {  	[hbm4b:s5+s2] =	stream.indirect_vreg.scatter [tilespmem:s16], [sflag:$0x1], $0x80, v3, vm0, $0xb8;
	[tilespmem:$0x18080] =	vst v63  }
0xa6: {  	v3 =	vld [tilespmem:$0x60];
	_ =	sdelay $0x4  }
0xa7: {  	v62 =	vshrl.u32 v3, $0x3  }
0xa8: {  	v4 =	vmul.u32 $0x30, v62  }
0xa9: {  	v3 =	vand.u32 $0x7, v3  }
0xaa: {  	v3 =	vor.u32 v3, v4  }
0xab: {  	v4 =	vperm.xlane v3, v0;
	_ =	sdelay $0x1  }
0xac: {  	v4 =	vadd.s32 v1, v4;
	_ =	sdelay $0x3  }
0xad: {  	v3 =	vperm.xlane v3, v2  }
0xae: {  	[hbm4b:s3+s2] =	stream.indirect_vreg.scatter [tilespmem:s17], [sflag:$0x1], $0x80, v4, vm0, $0xb8;
	[tilespmem:$0x18080] =	vst v63  }
0xaf: {  	v3 =	vadd.s32 v1, v3  }
0xb0: {  	[hbm4b:s4+s2] =	stream.indirect_vreg.scatter [tilespmem:s18], [sflag:$0x1], $0x80, v4, vm0, $0xb8;
	[tilespmem:$0x18080] =	vst v63  }
0xb1: {  	_ = 	snop  }
0xb2: {  	[hbm4b:s5+s2] =	stream.indirect_vreg.scatter [tilespmem:s19], [sflag:$0x1], $0x80, v4, vm0, $0xb8;
	[tilespmem:$0x18080] =	vst v63  }
0xb3: {  	_ = 	snop  }
0xb4: {  	[hbm4b:s3+s2] =	stream.indirect_vreg.scatter [tilespmem:s20], [sflag:$0x1], $0x80, v3, vm0, $0xb8;
	[tilespmem:$0x18080] =	vst v63  }
0xb5: {  	_ = 	snop  }
0xb6: {  	[hbm4b:s4+s2] =	stream.indirect_vreg.scatter [tilespmem:s21], [sflag:$0x1], $0x80, v3, vm0, $0xb8;
	[tilespmem:$0x18080] =	vst v63  }
0xb7: {  	_ = 	snop  }
0xb8: {  	[hbm4b:s5+s2] =	stream.indirect_vreg.scatter [tilespmem:s22], [sflag:$0x1], $0x80, v3, vm0, $0xb8;
	[tilespmem:$0x18080] =	vst v63  }
0xb9: {  	v3 =	vld [tilespmem:$0x70];
	_ =	sdelay $0x4  }
0xba: {  	v63 =	vshrl.u32 v3, $0x3  }
0xbb: {  	v4 =	vmul.u32 $0x30, v63  }
0xbc: {  	v3 =	vand.u32 $0x7, v3  }
0xbd: {  	v3 =	vor.u32 v3, v4  }
0xbe: {  	v4 =	vperm.xlane v3, v0;
	_ =	sdelay $0x1  }
0xbf: {  	v4 =	vadd.s32 v1, v4;
	_ =	sdelay $0x3  }
0xc0: {  	v3 =	vperm.xlane v3, v2  }
0xc1: {  	[hbm4b:s3+s2] =	stream.indirect_vreg.scatter [tilespmem:s23], [sflag:$0x1], $0x80, v4, vm0, $0xb8;
	[tilespmem:$0x18080] =	vst v63  }
0xc2: {  	v3 =	vadd.s32 v1, v3  }
0xc3: {  	[hbm4b:s4+s2] =	stream.indirect_vreg.scatter [tilespmem:s24], [sflag:$0x1], $0x80, v4, vm0, $0xb8;
	[tilespmem:$0x18080] =	vst v63  }
0xc4: {  	_ = 	snop  }
0xc5: {  	[hbm4b:s5+s2] =	stream.indirect_vreg.scatter [tilespmem:s25], [sflag:$0x1], $0x80, v4, vm0, $0xb8;
	[tilespmem:$0x18080] =	vst v63  }
0xc6: {  	_ = 	snop  }
0xc7: {  	[hbm4b:s3+s2] =	stream.indirect_vreg.scatter [tilespmem:s26], [sflag:$0x1], $0x80, v3, vm0, $0xb8;
	[tilespmem:$0x18080] =	vst v63  }
0xc8: {  	p0 =	sne.s32 s1, $0x70  }
0xc9: {  	[hbm4b:s4+s2] =	stream.indirect_vreg.scatter [tilespmem:s28], [sflag:$0x1], $0x80, v3, vm0, $0xb8;
	[tilespmem:$0x18080] =	vst v63  }
.Ltmp0:
0xca: {  	_ = 	snop;
	(pc) =	sbr.rel @p0 .LBB2_2-.Ltmp0, $4  }
0xcb: {  	[hbm4b:s5+s2] =	stream.indirect_vreg.scatter [tilespmem:s29], [sflag:$0x1], $0x80, v3, vm0, $0xb8;
	[tilespmem:$0x18080] =	vst v63  }
0xcc: {  	_ =	swait.ge [sflag:s30], $0x18000  }
0xcd: {  	[sflag:s30] =	ssyncset.done $0x0  }
0xce: {  	s1 =	sadd.s32 $0x10, s1;
	s7 =	sadd.s32 $0x3000, s7;
	[sflag:s30] =	ssyncadd.s32 $0xFFFE8000  }
0xcf: {  	s0 =	sld [smem:$0x7FB];
	_ =	sdelay $0x1  }
0xd0: {  	s31 =	sadd.s32 $0x1, s31  }
0xd1: {  	p0 =	sne.s32 s31, s0  }
.Ltmp1:
0xd2: {  	_ = 	snop;
	(pc) =	sbr.rel @p0 .LBB2_1-.Ltmp1, $1  }
0xd3: {  	_ =	sdelay $0x3  }
0xd4: {  	_ =	sfence.sel $0x180000  }
0xd5: {  	[bflag:$0x0] =	sbarrier.arrive $0xFFFF  }
0xd6: {  	_ =	strace $0x9000004A  }
0xd7: {  	s0 =	stileid.u32;
	[bflag:$0x2] =	sbarrier.arrive $0xFFFF  }
0xd8: {  	p0 =	sne.s32 s0, $0x0;
	s0 =	rddreg [dreg:$0x3]  }
0xd9: {  	s0 =	sadd.s32 @!p0 $0x100000, s0  }
0xda: {  	[sflag:s0] =	ssyncadd.tile.s32 @!p0 $0x1;
	_ =	shalt  }
.Lfunc_end2:
_tile_overlayer_lowered:
.L_overlay_start_2:
0xdb: {  	(tag) =	ssettag $0x2  }
0xdc: {  	s0 =	rddreg [dreg:$0x0];
	s2 =	stileid.u32  }
0xdd: {  	s1 =	rddreg [dreg:$0x1];
	p0 =	sne.s32 s2, $0x0  }
0xde: {  	s3 =	rddreg [dreg:$0x2];
	[bflag:$0x3] =	sbarrier.arrive $0xFFFF;
	s2 =	simm.s32 @!p0 $0x1C02  }
0xdf: {  	[timem:s3], [sflag:s2] =	dma.local @!p0 [hbm:s0], s1  }
0xe0: {  	s0 =	simm.s32 @!p0 $0x2  }
0xe1: {  	_ =	swait.ge @!p0 [sflag:s0], s1  }
0xe2: {  	s1 =	ssub.s32 @!p0 $0x0, s1;
	[sflag:s0] =	ssyncset.done @!p0 $0x0  }
0xe3: {  	[sflag:s0] =	ssyncadd.s32 @!p0 s1  }
0xe4: {  	[bflag:$0x3] =	sbarrier.arrive $0xFFFF  }
0xe5: {  	_ =	shalt  }

// kernel: kernel.14.cloned.1.call-start
scs
__scs_entry_jumppad:
0x0: {  	(pc) =	sbr.rel $0x88, $3  }
0x1: {  	(tag) =	ssettag $0x0;
	lr =	simm.s32 $0x1  }
0x2: {  	[smem:$0x3F9A] =	sst lr;
	_ =	strace $0xD0000000  }
0x3: {  	_ = 	snop  }
0x4: {  	_ = 	snop  }
0x5: {  	_ = 	snop  }
0x6: {  	_ = 	snop  }
0x7: {  	_ = 	snop  }
__scs_overlays_trampoline_lowered:
0x8: {  	[smem:$0x3FA9] =	sst s0  }
0x9: {  	[smem:$0x3FAA] =	sst s1  }
0xa: {  	[smem:$0x3FAB] =	sst s2  }
0xb: {  	[smem:$0x3FAC] =	sst s3  }
0xc: {  	[smem:$0x3FAD] =	sst s4  }
0xd: {  	[smem:$0x3FAE] =	sst s5  }
0xe: {  	[smem:$0x3FAF] =	sst s6  }
0xf: {  	[smem:$0x3FB0] =	sst s7  }
0x10: {  	[smem:$0x3FB1] =	sst s8  }
0x11: {  	[smem:$0x3FB2] =	sst s9;
	s0 =	simm.s32 @!p0 $0x0  }
0x12: {  	s1 =	sld [smem:$0x3F98];
	s0 =	simm.s32 @p0 $0x1  }
0x13: {  	[smem:$0x3FB3] =	sst s0;
	s0 =	simm.s32 @!p1 $0x0  }
0x14: {  	s2 =	sld [smem:$0x3F97];
	s0 =	simm.s32 @p1 $0x1  }
0x15: {  	[smem:$0x3FB4] =	sst s0;
	s0 =	simm.s32 @!p2 $0x0  }
0x16: {  	s3 =	sld [smem:$0x3FDB];
	s0 =	simm.s32 @p2 $0x1  }
0x17: {  	s4 =	simm.s32 $0x1BF5;
	[smem:$0x3FB6] =	sst s0  }
0x18: {  	s0 =	sld [smem:$0x3F99];
	_ =	swait.ge [sflag:s4], $0x0  }
0x19: {  	s7 =	sld [smem:$0x3F9A]  }
0x1a: {  	s8 =	sadd.s32 $0xFFFFE003, lr  }
0x1b: {  	s9 =	sadd.s32 $0xFFFFFEF7, lr;
	s5 =	simm.s32 $0xFFFFFFFF;
	p2 =	slt.u32 s8, $0xFFFFF086  }
0x1c: {  	p1 =	slt.u32 s9, $0xF7A;
	s5 =	simm.s32 @!p2 $0x0  }
0x1d: {  	s5 =	simm.s32 @p1 $0x1;
	p0 =	seq.s32 s7, s2  }
0x1e: {  	s7 =	smul.u32 @!p0 $0xF7A, s2;
	p2 =	seq.s32 @!p0 s5, $0x0  }
0x1f: {  	s9 =	smul.u32 $0xF7A, s1;
	s8 =	simm.s32 @!p0 $0x1BF5;
	p2 =	por !p2, p0  }
0x20: {  	[sflag:s8] =	ssyncset.s32 @!p0 $0xFFFFF086;
	s6 =	sadd.s32 @!p0 s3, s7;
	s7 =	simm.s32 @!p0 $0x108  }
0x21: {  	s3 =	sadd.s32 s3, s9;
	s6 =	sadd.s32 @!p0 $0x88, s6;
	s7 =	simm.s32 @p2 $0x1082  }
0x22: {  	[simem:s7], [sflag:s8] =	dma.local @!p0 [hbm:s6], $0xF7A  }
0x23: {  	s9 =	sor.u32 $0xD0000000, s2;
	s6 =	simm.s32 $0x108;
	_ =	swait.ge @!p0 [sflag:s8], $0x0  }
0x24: {  	s3 =	sadd.s32 $0x88, s3;
	s6 =	simm.s32 @!p1 $0x1082;
	[sflag:s4] =	ssyncset.s32 $0xFFFFF086  }
0x25: {  	[simem:s6], [sflag:s4] =	dma.local [hbm:s3], $0xF7A  }
0x26: {  	[smem:$0x3F9A] =	sst s1;
	(tag) =	ssettag s2;
	_ =	strace s9  }
0x27: {  	s1 =	sld [smem:$0x3FAA]  }
0x28: {  	s2 =	sld [smem:$0x3FAB]  }
0x29: {  	s4 =	sld [smem:$0x3FAD]  }
0x2a: {  	p0 =	seq.s32 s5, $0x0;
	s5 =	sld [smem:$0x3FAE]  }
0x2b: {  	s6 =	sld [smem:$0x3FAF]  }
0x2c: {  	s7 =	sld [smem:$0x3FB0]  }
0x2d: {  	s3 =	simm.s32 $0x108;
	s8 =	sld [smem:$0x3FB1]  }
0x2e: {  	s3 =	simm.s32 @!p0 $0x1082;
	s9 =	sld [smem:$0x3FB2]  }
0x2f: {  	lr =	sadd.s32 s0, s3;
	s0 =	sld [smem:$0x3FA9]  }
0x30: {  	s3 =	sld [smem:$0x3FAC]  }
0x31: {  	[smem:$0x3FB5] =	sst s10  }
0x32: {  	s10 =	sld [smem:$0x3FB3];
	_ =	sdelay $0x3  }
0x33: {  	p0 =	seq.s32 s10, $0x1;
	s10 =	sld [smem:$0x3FB5];
	_ =	sdelay $0x3  }
0x34: {  	[smem:$0x3FB5] =	sst s10  }
0x35: {  	s10 =	sld [smem:$0x3FB4];
	_ =	sdelay $0x3  }
0x36: {  	p1 =	seq.s32 s10, $0x1;
	s10 =	sld [smem:$0x3FB5];
	_ =	sdelay $0x3  }
0x37: {  	[smem:$0x3FB5] =	sst s10  }
0x38: {  	s10 =	sld [smem:$0x3FB6]  }
0x39: {  	_ = 	snop;
	(pc) =	sbr.ind lr, $3  }
0x3a: {  	_ = 	snop  }
0x3b: {  	_ = 	snop  }
0x3c: {  	p2 =	seq.s32 s10, $0x1;
	s10 =	sld [smem:$0x3FB5]  }
0x3d: {  	_ =	shalt  }
0x3e: {  	_ =	shalt  }
0x3f: {  	_ =	shalt  }
0x40: {  	_ =	shalt  }
0x41: {  	_ =	shalt  }
0x42: {  	_ =	shalt  }
0x43: {  	_ =	shalt  }
0x44: {  	_ =	shalt  }
0x45: {  	_ =	shalt  }
0x46: {  	_ =	shalt  }
0x47: {  	_ =	shalt  }
0x48: {  	_ =	shalt  }
0x49: {  	_ =	shalt  }
0x4a: {  	_ =	shalt  }
0x4b: {  	_ =	shalt  }
0x4c: {  	_ =	shalt  }
0x4d: {  	_ =	shalt  }
0x4e: {  	_ =	shalt  }
0x4f: {  	_ =	shalt  }
0x50: {  	_ =	shalt  }
0x51: {  	_ =	shalt  }
0x52: {  	_ =	shalt  }
0x53: {  	_ =	shalt  }
0x54: {  	_ =	shalt  }
0x55: {  	_ =	shalt  }
0x56: {  	_ =	shalt  }
0x57: {  	_ =	shalt  }
0x58: {  	_ =	shalt  }
0x59: {  	_ =	shalt  }
0x5a: {  	_ =	shalt  }
0x5b: {  	_ =	shalt  }
0x5c: {  	_ =	shalt  }
0x5d: {  	_ =	shalt  }
0x5e: {  	_ =	shalt  }
0x5f: {  	_ =	shalt  }
0x60: {  	_ =	shalt  }
0x61: {  	_ =	shalt  }
0x62: {  	_ =	shalt  }
0x63: {  	_ =	shalt  }
0x64: {  	_ =	shalt  }
0x65: {  	_ =	shalt  }
0x66: {  	_ =	shalt  }
0x67: {  	_ =	shalt  }
0x68: {  	_ =	shalt  }
0x69: {  	_ =	shalt  }
0x6a: {  	_ =	shalt  }
0x6b: {  	_ =	shalt  }
0x6c: {  	_ =	shalt  }
0x6d: {  	_ =	shalt  }
0x6e: {  	_ =	shalt  }
0x6f: {  	_ =	shalt  }
0x70: {  	_ =	shalt  }
0x71: {  	_ =	shalt  }
0x72: {  	_ =	shalt  }
0x73: {  	_ =	shalt  }
0x74: {  	_ =	shalt  }
0x75: {  	_ =	shalt  }
0x76: {  	_ =	shalt  }
0x77: {  	_ =	shalt  }
0x78: {  	_ =	shalt  }
0x79: {  	_ =	shalt  }
0x7a: {  	_ =	shalt  }
0x7b: {  	_ =	shalt  }
0x7c: {  	_ =	shalt  }
0x7d: {  	_ =	shalt  }
0x7e: {  	_ =	shalt  }
0x7f: {  	_ =	shalt  }
0x80: {  	_ =	shalt  }
0x81: {  	_ =	shalt  }
0x82: {  	_ =	shalt  }
0x83: {  	_ =	shalt  }
0x84: {  	_ =	shalt  }
0x85: {  	_ =	shalt  }
0x86: {  	_ =	shalt  }
0x87: {  	_ =	shalt  }
.Lfunc_end0:
.L_simem_size_0:
called_computation.1_lowered:
.L_overlay_start_0:
0x88: {  	s2 =	sld [smem:$0x3FD9]  }
0x89: {  	s3 =	sld [smem:$0x3FFE];
	_ =	sdelay $0x1  }
0x8a: {  	s1 =	srdreg.scid  }
0x8b: {  	s0 =	sand.u32 $0x1, s1  }
0x8c: {  	s17 =	sshll.u32 s0, $0xA;
	s2 =	sadd.s32 s3, s2  }
0x8d: {  	s2 =	sadd.s32 s2, s17  }
0x8e: {  	[smem:$0x3FC1] =	sst s2  }
0x8f: {  	_ = 	snop  }
0x90: {  	s18 =	sld [smem:$0x3FD0];
	(tm) =	ssettm $0x1  }
0x91: {  	s19 =	sld [smem:$0x3FFB];
	_ =	sdelay $0x3  }
0x92: {  	_ =	strace s19  }
0x93: {  	s2 =	sld [smem:$0x3FFC];
	_ =	sdelay $0x3  }
0x94: {  	_ =	strace s2  }
0x95: {  	s2 =	sld [smem:$0x3FFD];
	_ =	sdelay $0x3  }
0x96: {  	_ =	strace s2  }
0x97: {  	_ =	strace $0x8FFFFFFF  }
0x98: {  	s20 =	sld [smem:$0x3FDB];
	_ =	sdelay $0x1  }
0x99: {  	s4 =	simm.s32 $_scs_section_size  }
0x9a: {  	s5 =	simm.s32 $_size__tile_overlayer_lowered;
	s6 =	simm.s32 $_tile_overlayer_lowered  }
0x9b: {  	s7 =	simm.s32 $0x1BFF;
	s21 =	sshll.u32 s6, $0x1;
	s4 =	sadd.s32 s4, s20  }
0x9c: {  	s22 =	simm.s32 $0x0;
	s5 =	sshll.u32 s5, $0x1;
	s6 =	sadd.s32 s21, s4  }
0x9d: {  	[timem:s22], [sflag:s7] =	dma.local [hbm:s6], s5  }
0x9e: {  	_ =	swait.ge [sflag:s7], s5  }
0x9f: {  	s5 =	ssub.s32 $0x0, s5;
	[sflag:s7] =	ssyncset.done $0x0  }
0xa0: {  	[sflag:s7] =	ssyncadd.s32 s5;
	_ =	sdelay $0x1  }
0xa1: {  	s23 =	simm.s32 $0x1B8B  }
0xa2: {  	_ =	swait.ge [sflag:s23], $0x1  }
0xa3: {  	[sflag:s23] =	ssyncset.done $0x0  }
0xa4: {  	[sflag:s23] =	ssyncadd.s32 $0xFFFFFFFF  }
0xa5: {  	s5 =	sld [smem:$0x0]  }
0xa6: {  	s6 =	sand.u32 $0xFFFFFFFE, s1  }
0xa7: {  	p0 =	sne.s32 s1, s6  }
0xa8: {  	s6 =	sshll.u32 @p0 s6, $0xE  }
0xa9: {  	s6 =	sadd.s32 @p0 $0x11B8D, s6;
	s7 =	sshll.u32 @p0 s5, $0x11  }
0xaa: {  	s6 =	sor.u32 @p0 s7, s6  }
0xab: {  	[sflag:s6] =	ssyncadd.remote.s32 @p0 $0x1;
	_ =	sdelay $0x1  }
0xac: {  	s6 =	simm.s32 @p0 $0x1B8D  }
0xad: {  	_ =	swait.eq @p0 [sflag:s6], $0x1  }
0xae: {  	[sflag:s6] =	ssyncadd.s32 @p0 $0xFFFFFFFF  }
0xaf: {  	s7 =	sshll.u32 @!p0 s1, $0xE  }
0xb0: {  	s7 =	sor.u32 @!p0 $0x4000, s7;
	s6 =	simm.s32 @!p0 $0x1B8D  }
0xb1: {  	s5 =	sshll.u32 @!p0 s5, $0x11;
	s7 =	sadd.s32 @!p0 $0x11B8D, s7;
	_ =	swait.eq @!p0 [sflag:s6], $0x1  }
0xb2: {  	s5 =	sor.u32 @!p0 s5, s7;
	[sflag:s6] =	ssyncadd.s32 @!p0 $0xFFFFFFFF  }
0xb3: {  	s25 =	simm.s32 $0x1B8E;
	s24 =	sld [smem:$0x3FFE];
	[sflag:s5] =	ssyncadd.remote.s32 @!p0 $0x1  }
0xb4: {  	s26 =	simm.s32 $execute0_lowered;
	[smem:$0x3FD2] =	sst s25  }
0xb5: {  	s6 =	sshll.u32 s26, $0x1;
	_ =	strace $0x8000004F;
	[dreg:$0x1] =	wrdreg $0xFFFFFFFF  }
0xb6: {  	s28 =	simm.s32 $_size_execute0_lowered;
	s4 =	sadd.s32 s4, s6;
	[dreg:$0x0] =	wrdreg $0x0  }
0xb7: {  	s6 =	sshll.u32 s28, $0x1;
	[dreg:$0x2] =	wrdreg s4  }
0xb8: {  	[dreg:$0x3] =	wrdreg s6  }
0xb9: {  	[dreg:$0x4] =	wrdreg $0xC0  }
0xba: {  	_ =	task [dreg:s22], $0x5FFFF  }
0xbb: {  	[dreg:$0x1] =	wrdreg $0xFFFFFFFF  }
0xbc: {  	[dreg:$0x0] =	wrdreg $0x60  }
0xbd: {  	[dreg:$0x2] =	wrdreg s18  }
0xbe: {  	[dreg:$0x3] =	wrdreg s24  }
0xbf: {  	[dreg:$0x4] =	wrdreg $0x9  }
0xc0: {  	_ =	task.clear_ibuf [dreg:s22], $0x5FFFF;
	_ =	strace $0x9000004F  }
0xc1: {  	s29 =	simm.s32 $0x9;
	_ =	strace $0x80000051  }
0xc2: {  	_ =	swait.ge [sflag:s29], $0x1  }
0xc3: {  	[sflag:s29] =	ssyncadd.s32 $0xFFFFFFFF  }
0xc4: {  	_ =	strace $0x90000051  }
0xc5: {  	_ =	sfence  }
0xc6: {  	s30 =	sld [smem:$0x0];
	_ =	sdelay $0x2  }
0xc7: {  	s31 =	sshll.u32 s1, $0xD;
	s1 =	sshrl.u32 s1, $0x2  }
0xc8: {  	s4 =	sand.u32 $0x4000, s31;
	s1 =	sadd.s32 s1, s30  }
0xc9: {  	s0 =	sor.u32 s4, s0;
	s1 =	sshll.u32 s1, $0x11  }
0xca: {  	s0 =	sor.u32 s1, s0  }
0xcb: {  	s0 =	sadd.s32 $0x8F2B, s0  }
0xcc: {  	[sflag:s0] =	ssyncadd.remote.s32 $0x1  }
0xcd: {  	_ =	sfence.sel $0xFFFF  }
0xce: {  	[dreg:$0x0] =	wrdreg $0xFFFFFFFF;
	(pc) =	sbr.abs _section_cstart, $3  }
0xcf: {  	[dreg:$0x1] =	wrdreg $0xFFFFFFFF  }
0xd0: {  	_ =	task.clear_ibuf [dreg:s22], $0x2FFFF;
	_ =	strace $0x9FFFFFFF  }
0xd1: {  	(tm) =	ssettm $0x7FFFFFFF  }
tec
execute0_lowered:
.L_overlay_start_1:
0x0: {  	(tag) =	ssettag $0x1  }
0x1: {  	s2 =	rddreg [dreg:$0x0]  }
0x2: {  	s1 =	rddreg [dreg:$0x1];
	s3 =	simm.s32 $0x0  }
0x3: {  	s18 =	simm.s32 $0x880;
	[smem:$0x7FF] =	sst s3  }
0x4: {  	s19 =	simm.s32 $0x1080;
	_ =	strace $0x80000050;
	[dreg:$0x4] =	wrdreg s18  }
0x5: {  	s20 =	simm.s32 $0x1880;
	[dreg:$0x5] =	wrdreg s19  }
0x6: {  	s21 =	simm.s32 $0x2080;
	[dreg:$0x6] =	wrdreg s20  }
0x7: {  	s22 =	simm.s32 $0x2880;
	[dreg:$0x7] =	wrdreg s21  }
0x8: {  	s23 =	simm.s32 $0x3080;
	[dreg:$0x8] =	wrdreg s22  }
0x9: {  	s6 =	stileid.u32;
	s24 =	simm.s32 $0x3880;
	[dreg:$0x9] =	wrdreg s23  }
0xa: {  	s0 =	srdreg.scid;
	s25 =	simm.s32 $0x4080;
	[dreg:$0xa] =	wrdreg s24  }
0xb: {  	s26 =	simm.s32 $0x4880;
	s7 =	simm.s32 $0x5880;
	[dreg:$0xb] =	wrdreg s25  }
0xc: {  	s8 =	simm.s32 $0x6080;
	s9 =	simm.s32 $0x6880;
	[dreg:$0xc] =	wrdreg s26  }
0xd: {  	s10 =	simm.s32 $0x7080;
	s11 =	simm.s32 $0x7880;
	[dreg:$0xe] =	wrdreg s7  }
0xe: {  	s12 =	simm.s32 $0x8080;
	s14 =	simm.s32 $0x8880;
	[dreg:$0xf] =	wrdreg s8  }
0xf: {  	s15 =	simm.s32 $0x9080;
	s16 =	simm.s32 $0x9880;
	[dreg:$0x10] =	wrdreg s9  }
0x10: {  	s28 =	simm.s32 $0x17080;
	s29 =	simm.s32 $0x17880;
	[dreg:$0x11] =	wrdreg s10  }
0x11: {  	s30 =	simm.s32 $0x1;
	s31 =	simm.s32 $0x0;
	[dreg:$0x12] =	wrdreg s11  }
0x12: {  	s4 =	sshll.u32 s6, $0x8;
	s0 =	sand.u32 $0x1, s0;
	[dreg:$0x13] =	wrdreg s12  }
0x13: {  	s13 =	smul.u32 $0x30000, s6;
	s4 =	sadd.s32 s4, s1;
	[dreg:$0x14] =	wrdreg s14  }
0x14: {  	s5 =	sshll.u32 s0, $0x7;
	[dreg:$0x15] =	wrdreg s15;
	s17 =	ssub.s32 $0x2, s0  }
0x15: {  	[dreg:$0x16] =	wrdreg s16;
	s18 =	simm.s32 $0xA080;
	s20 =	simm.s32 $0xA880  }
0x16: {  	s21 =	simm.s32 $0xB080;
	s7 =	simm.s32 $0xB880;
	s22 =	simm.s32 $0xC080  }
0x17: {  	s0 =	smul.u32 $0x18000, s0;
	s23 =	simm.s32 $0xC880;
	[dreg:$0x17] =	wrdreg s18  }
0x18: {  	s24 =	simm.s32 $0xD080;
	s25 =	simm.s32 $0xD880;
	[dreg:$0x18] =	wrdreg s20  }
0x19: {  	s26 =	simm.s32 $0xE080;
	s8 =	simm.s32 $0x2;
	[dreg:$0x19] =	wrdreg s21  }
0x1a: {  	s9 =	simm.s32 $0x80;
	s10 =	simm.s32 $0xE880;
	[dreg:$0x1a] =	wrdreg s7  }
0x1b: {  	s11 =	simm.s32 $0xF080;
	s12 =	simm.s32 $0xF880;
	[dreg:$0x1b] =	wrdreg s22  }
0x1c: {  	s14 =	simm.s32 $0x10880;
	s15 =	simm.s32 $0x11080;
	[dreg:$0x1c] =	wrdreg s23  }
0x1d: {  	s16 =	simm.s32 $0x11880;
	s4 =	sadd.s32 s5, s4;
	[dreg:$0x1d] =	wrdreg s24  }
0x1e: {  	s5 =	simm.s32 $0x5080;
	s1 =	sadd.s32 s13, s1;
	[dreg:$0x1e] =	wrdreg s25  }
0x1f: {  	s19 =	sshrl.u32 s17, $0x1;
	[dreg:$0x1f] =	wrdreg s26;
	s13 =	simm.s32 $0x10080  }
0x20: {  	s18 =	simm.s32 $0x12880;
	s20 =	simm.s32 $0x13880;
	s21 =	simm.s32 $0x14080  }
0x21: {  	s22 =	simm.s32 $0x14880;
	s23 =	simm.s32 $0x15080;
	s24 =	simm.s32 $0x15880  }
0x22: {  	s25 =	simm.s32 $0x16080;
	s26 =	simm.s32 $0x16880;
	s4 =	sadd.s32 $0x4800, s4  }
0x23: {  	[dreg:$0xd] =	wrdreg s5;
	s6 =	ssub.s32 s17, s19;
	s5 =	sadd.s32 $0x200, s2  }
0x24: {  	v2 =	vlaneseq.u32;
	s0 =	sadd.s32 s0, s1;
	[dreg:$0x3] =	wrdreg s4;
	s6 =	smax.u32 s6, $0x1  }
0x25: {  	vm0 =	vmmov $0xffff;
	v1 =	vshrl.u32 v2, $0x3;
	s17 =	simm.s32 $0x12080;
	s0 =	sadd.s32 $0x305800, s0;
	[smem:$0x7FC] =	sst s6  }
0x26: {  	v0 =	vand.u32 $0x7, v2;
	v2 =	vor.u32 $0x8, v2;
	v1 =	vmul.u32 $0x8, v1;
	s19 =	simm.s32 $0x13080;
	s4 =	sadd.s32 $0x100, s2;
	[smem:$0x7FD] =	sst s0  }
.LBB2_1:
0x27: {  	s7 =	sld [smem:$0x7FD];
	s1 =	simm.s32 $0x0  }
.LBB2_2:
0x28: {  	s6 =	rddreg [dreg:$0x3]  }
0x29: {  	s6 =	sadd.s32 s1, s6  }
0x2a: {  	[tilespmem:s3], [sflag:$0x2] =	stream.linear.gather [hbm4b:s6+s3], $0x80, $0x38;
	[tilespmem:$0x18080] =	vst v63  }
0x2b: {  	_ =	swait.ge [sflag:s8], $0x80  }
0x2c: {  	[sflag:s8] =	ssyncset.done $0x0  }
0x2d: {  	[sflag:s8] =	ssyncadd.s32 $0xFFFFFF80  }
0x2e: {  	v3 =	vld [tilespmem:$0x0];
	_ =	sdelay $0x4  }
0x2f: {  	v4 =	vshrl.u32 v3, $0x3  }
0x30: {  	v4 =	vmul.u32 $0x30, v4  }
0x31: {  	v3 =	vand.u32 $0x7, v3  }
0x32: {  	v3 =	vor.u32 v3, v4  }
0x33: {  	v4 =	vperm.xlane v3, v0;
	_ =	sdelay $0x1  }
0x34: {  	v4 =	vadd.s32 v1, v4;
	_ =	sdelay $0x3  }
0x35: {  	v3 =	vperm.xlane v3, v2  }
0x36: {  	[tilespmem:s9], [sflag:$0x1] =	stream.indirect_vreg.gather [hbm4b:s2+s3], $0x80, v4, vm0, $0xb8;
	[tilespmem:$0x18080] =	vst v63  }
0x37: {  	s6 =	rddreg [dreg:$0x4];
	v3 =	vadd.s32 v1, v3  }
0x38: {  	[tilespmem:s6], [sflag:$0x1] =	stream.indirect_vreg.gather [hbm4b:s4+s3], $0x80, v4, vm0, $0xb8;
	[tilespmem:$0x18080] =	vst v63  }
0x39: {  	s0 =	rddreg [dreg:$0x5]  }
0x3a: {  	[tilespmem:s0], [sflag:$0x1] =	stream.indirect_vreg.gather [hbm4b:s5+s3], $0x80, v4, vm0, $0xb8;
	[tilespmem:$0x18080] =	vst v63  }
0x3b: {  	s6 =	rddreg [dreg:$0x6]  }
0x3c: {  	[tilespmem:s6], [sflag:$0x1] =	stream.indirect_vreg.gather [hbm4b:s2+s3], $0x80, v3, vm0, $0xb8;
	[tilespmem:$0x18080] =	vst v63  }
0x3d: {  	s0 =	rddreg [dreg:$0x7]  }
0x3e: {  	[tilespmem:s0], [sflag:$0x1] =	stream.indirect_vreg.gather [hbm4b:s4+s3], $0x80, v3, vm0, $0xb8;
	[tilespmem:$0x18080] =	vst v63  }
0x3f: {  	s6 =	rddreg [dreg:$0x8]  }
0x40: {  	[tilespmem:s6], [sflag:$0x1] =	stream.indirect_vreg.gather [hbm4b:s5+s3], $0x80, v3, vm0, $0xb8;
	[tilespmem:$0x18080] =	vst v63  }
0x41: {  	v3 =	vld [tilespmem:$0x10];
	_ =	sdelay $0x4  }
0x42: {  	v57 =	vshrl.u32 v3, $0x3  }
0x43: {  	v4 =	vmul.u32 $0x30, v57  }
0x44: {  	v3 =	vand.u32 $0x7, v3  }
0x45: {  	v3 =	vor.u32 v3, v4  }
0x46: {  	v4 =	vperm.xlane v3, v0;
	_ =	sdelay $0x1  }
0x47: {  	v4 =	vadd.s32 v1, v4;
	_ =	sdelay $0x3  }
0x48: {  	s0 =	rddreg [dreg:$0x9];
	v3 =	vperm.xlane v3, v2  }
0x49: {  	[tilespmem:s0], [sflag:$0x1] =	stream.indirect_vreg.gather [hbm4b:s2+s3], $0x80, v4, vm0, $0xb8;
	[tilespmem:$0x18080] =	vst v63  }
0x4a: {  	s6 =	rddreg [dreg:$0xa];
	v3 =	vadd.s32 v1, v3  }
0x4b: {  	[tilespmem:s6], [sflag:$0x1] =	stream.indirect_vreg.gather [hbm4b:s4+s3], $0x80, v4, vm0, $0xb8;
	[tilespmem:$0x18080] =	vst v63  }
0x4c: {  	s0 =	rddreg [dreg:$0xb]  }
0x4d: {  	[tilespmem:s0], [sflag:$0x1] =	stream.indirect_vreg.gather [hbm4b:s5+s3], $0x80, v4, vm0, $0xb8;
	[tilespmem:$0x18080] =	vst v63  }
0x4e: {  	s6 =	rddreg [dreg:$0xc]  }
0x4f: {  	[tilespmem:s6], [sflag:$0x1] =	stream.indirect_vreg.gather [hbm4b:s2+s3], $0x80, v3, vm0, $0xb8;
	[tilespmem:$0x18080] =	vst v63  }
0x50: {  	s0 =	rddreg [dreg:$0xd]  }
0x51: {  	[tilespmem:s0], [sflag:$0x1] =	stream.indirect_vreg.gather [hbm4b:s4+s3], $0x80, v3, vm0, $0xb8;
	[tilespmem:$0x18080] =	vst v63  }
0x52: {  	s6 =	rddreg [dreg:$0xe]  }
0x53: {  	[tilespmem:s6], [sflag:$0x1] =	stream.indirect_vreg.gather [hbm4b:s5+s3], $0x80, v3, vm0, $0xb8;
	[tilespmem:$0x18080] =	vst v63  }
0x54: {  	v3 =	vld [tilespmem:$0x20];
	_ =	sdelay $0x4  }
0x55: {  	v58 =	vshrl.u32 v3, $0x3  }
0x56: {  	v4 =	vmul.u32 $0x30, v58  }
0x57: {  	v3 =	vand.u32 $0x7, v3  }
0x58: {  	v3 =	vor.u32 v3, v4  }
0x59: {  	v4 =	vperm.xlane v3, v0;
	_ =	sdelay $0x1  }
0x5a: {  	v4 =	vadd.s32 v1, v4;
	_ =	sdelay $0x3  }
0x5b: {  	s0 =	rddreg [dreg:$0xf];
	v3 =	vperm.xlane v3, v2  }
0x5c: {  	[tilespmem:s0], [sflag:$0x1] =	stream.indirect_vreg.gather [hbm4b:s2+s3], $0x80, v4, vm0, $0xb8;
	[tilespmem:$0x18080] =	vst v63  }
0x5d: {  	s6 =	rddreg [dreg:$0x10];
	v3 =	vadd.s32 v1, v3  }
0x5e: {  	[tilespmem:s6], [sflag:$0x1] =	stream.indirect_vreg.gather [hbm4b:s4+s3], $0x80, v4, vm0, $0xb8;
	[tilespmem:$0x18080] =	vst v63  }
0x5f: {  	s0 =	rddreg [dreg:$0x11]  }
0x60: {  	[tilespmem:s0], [sflag:$0x1] =	stream.indirect_vreg.gather [hbm4b:s5+s3], $0x80, v4, vm0, $0xb8;
	[tilespmem:$0x18080] =	vst v63  }
0x61: {  	s6 =	rddreg [dreg:$0x12]  }
0x62: {  	[tilespmem:s6], [sflag:$0x1] =	stream.indirect_vreg.gather [hbm4b:s2+s3], $0x80, v3, vm0, $0xb8;
	[tilespmem:$0x18080] =	vst v63  }
0x63: {  	s0 =	rddreg [dreg:$0x13]  }
0x64: {  	[tilespmem:s0], [sflag:$0x1] =	stream.indirect_vreg.gather [hbm4b:s4+s3], $0x80, v3, vm0, $0xb8;
	[tilespmem:$0x18080] =	vst v63  }
0x65: {  	s6 =	rddreg [dreg:$0x14]  }
0x66: {  	[tilespmem:s6], [sflag:$0x1] =	stream.indirect_vreg.gather [hbm4b:s5+s3], $0x80, v3, vm0, $0xb8;
	[tilespmem:$0x18080] =	vst v63  }
0x67: {  	v3 =	vld [tilespmem:$0x30];
	_ =	sdelay $0x4  }
0x68: {  	v59 =	vshrl.u32 v3, $0x3  }
0x69: {  	v4 =	vmul.u32 $0x30, v59  }
0x6a: {  	v3 =	vand.u32 $0x7, v3  }
0x6b: {  	v3 =	vor.u32 v3, v4  }
0x6c: {  	v4 =	vperm.xlane v3, v0;
	_ =	sdelay $0x1  }
0x6d: {  	v4 =	vadd.s32 v1, v4;
	_ =	sdelay $0x3  }
0x6e: {  	s0 =	rddreg [dreg:$0x15];
	v3 =	vperm.xlane v3, v2  }
0x6f: {  	[tilespmem:s0], [sflag:$0x1] =	stream.indirect_vreg.gather [hbm4b:s2+s3], $0x80, v4, vm0, $0xb8;
	[tilespmem:$0x18080] =	vst v63  }
0x70: {  	s6 =	rddreg [dreg:$0x16];
	v3 =	vadd.s32 v1, v3  }
0x71: {  	[tilespmem:s6], [sflag:$0x1] =	stream.indirect_vreg.gather [hbm4b:s4+s3], $0x80, v4, vm0, $0xb8;
	[tilespmem:$0x18080] =	vst v63  }
0x72: {  	s0 =	rddreg [dreg:$0x17]  }
0x73: {  	[tilespmem:s0], [sflag:$0x1] =	stream.indirect_vreg.gather [hbm4b:s5+s3], $0x80, v4, vm0, $0xb8;
	[tilespmem:$0x18080] =	vst v63  }
0x74: {  	s6 =	rddreg [dreg:$0x18]  }
0x75: {  	[tilespmem:s6], [sflag:$0x1] =	stream.indirect_vreg.gather [hbm4b:s2+s3], $0x80, v3, vm0, $0xb8;
	[tilespmem:$0x18080] =	vst v63  }
0x76: {  	s0 =	rddreg [dreg:$0x19]  }
0x77: {  	[tilespmem:s0], [sflag:$0x1] =	stream.indirect_vreg.gather [hbm4b:s4+s3], $0x80, v3, vm0, $0xb8;
	[tilespmem:$0x18080] =	vst v63  }
0x78: {  	s6 =	rddreg [dreg:$0x1a]  }
0x79: {  	[tilespmem:s6], [sflag:$0x1] =	stream.indirect_vreg.gather [hbm4b:s5+s3], $0x80, v3, vm0, $0xb8;
	[tilespmem:$0x18080] =	vst v63  }
0x7a: {  	v3 =	vld [tilespmem:$0x40];
	_ =	sdelay $0x4  }
0x7b: {  	v60 =	vshrl.u32 v3, $0x3  }
0x7c: {  	v4 =	vmul.u32 $0x30, v60  }
0x7d: {  	v3 =	vand.u32 $0x7, v3  }
0x7e: {  	v3 =	vor.u32 v3, v4  }
0x7f: {  	v4 =	vperm.xlane v3, v0;
	_ =	sdelay $0x1  }
0x80: {  	v4 =	vadd.s32 v1, v4;
	_ =	sdelay $0x3  }
0x81: {  	s0 =	rddreg [dreg:$0x1b];
	v3 =	vperm.xlane v3, v2  }
0x82: {  	[tilespmem:s0], [sflag:$0x1] =	stream.indirect_vreg.gather [hbm4b:s2+s3], $0x80, v4, vm0, $0xb8;
	[tilespmem:$0x18080] =	vst v63  }
0x83: {  	s6 =	rddreg [dreg:$0x1c];
	v3 =	vadd.s32 v1, v3  }
0x84: {  	[tilespmem:s6], [sflag:$0x1] =	stream.indirect_vreg.gather [hbm4b:s4+s3], $0x80, v4, vm0, $0xb8;
	[tilespmem:$0x18080] =	vst v63  }
0x85: {  	s0 =	rddreg [dreg:$0x1d]  }
0x86: {  	[tilespmem:s0], [sflag:$0x1] =	stream.indirect_vreg.gather [hbm4b:s5+s3], $0x80, v4, vm0, $0xb8;
	[tilespmem:$0x18080] =	vst v63  }
0x87: {  	s6 =	rddreg [dreg:$0x1e]  }
0x88: {  	[tilespmem:s6], [sflag:$0x1] =	stream.indirect_vreg.gather [hbm4b:s2+s3], $0x80, v3, vm0, $0xb8;
	[tilespmem:$0x18080] =	vst v63  }
0x89: {  	s0 =	rddreg [dreg:$0x1f]  }
0x8a: {  	[tilespmem:s0], [sflag:$0x1] =	stream.indirect_vreg.gather [hbm4b:s4+s3], $0x80, v3, vm0, $0xb8;
	[tilespmem:$0x18080] =	vst v63  }
0x8b: {  	_ = 	snop  }
0x8c: {  	[tilespmem:s10], [sflag:$0x1] =	stream.indirect_vreg.gather [hbm4b:s5+s3], $0x80, v3, vm0, $0xb8;
	[tilespmem:$0x18080] =	vst v63  }
0x8d: {  	v3 =	vld [tilespmem:$0x50];
	_ =	sdelay $0x4  }
0x8e: {  	v61 =	vshrl.u32 v3, $0x3  }
0x8f: {  	v4 =	vmul.u32 $0x30, v61  }
0x90: {  	v3 =	vand.u32 $0x7, v3  }
0x91: {  	v3 =	vor.u32 v3, v4  }
0x92: {  	v4 =	vperm.xlane v3, v0;
	_ =	sdelay $0x1  }
0x93: {  	v4 =	vadd.s32 v1, v4;
	_ =	sdelay $0x3  }
0x94: {  	v3 =	vperm.xlane v3, v2  }
0x95: {  	[tilespmem:s11], [sflag:$0x1] =	stream.indirect_vreg.gather [hbm4b:s2+s3], $0x80, v4, vm0, $0xb8;
	[tilespmem:$0x18080] =	vst v63  }
0x96: {  	v3 =	vadd.s32 v1, v3  }
0x97: {  	[tilespmem:s12], [sflag:$0x1] =	stream.indirect_vreg.gather [hbm4b:s4+s3], $0x80, v4, vm0, $0xb8;
	[tilespmem:$0x18080] =	vst v63  }
0x98: {  	_ = 	snop  }
0x99: {  	[tilespmem:s13], [sflag:$0x1] =	stream.indirect_vreg.gather [hbm4b:s5+s3], $0x80, v4, vm0, $0xb8;
	[tilespmem:$0x18080] =	vst v63  }
0x9a: {  	_ = 	snop  }
0x9b: {  	[tilespmem:s14], [sflag:$0x1] =	stream.indirect_vreg.gather [hbm4b:s2+s3], $0x80, v3, vm0, $0xb8;
	[tilespmem:$0x18080] =	vst v63  }
0x9c: {  	_ = 	snop  }
0x9d: {  	[tilespmem:s15], [sflag:$0x1] =	stream.indirect_vreg.gather [hbm4b:s4+s3], $0x80, v3, vm0, $0xb8;
	[tilespmem:$0x18080] =	vst v63  }
0x9e: {  	_ = 	snop  }
0x9f: {  	[tilespmem:s16], [sflag:$0x1] =	stream.indirect_vreg.gather [hbm4b:s5+s3], $0x80, v3, vm0, $0xb8;
	[tilespmem:$0x18080] =	vst v63  }
0xa0: {  	v3 =	vld [tilespmem:$0x60];
	_ =	sdelay $0x4  }
0xa1: {  	v62 =	vshrl.u32 v3, $0x3  }
0xa2: {  	v4 =	vmul.u32 $0x30, v62  }
0xa3: {  	v3 =	vand.u32 $0x7, v3  }
0xa4: {  	v3 =	vor.u32 v3, v4  }
0xa5: {  	v4 =	vperm.xlane v3, v0;
	_ =	sdelay $0x1  }
0xa6: {  	v4 =	vadd.s32 v1, v4;
	_ =	sdelay $0x3  }
0xa7: {  	v3 =	vperm.xlane v3, v2  }
0xa8: {  	[tilespmem:s17], [sflag:$0x1] =	stream.indirect_vreg.gather [hbm4b:s2+s3], $0x80, v4, vm0, $0xb8;
	[tilespmem:$0x18080] =	vst v63  }
0xa9: {  	v3 =	vadd.s32 v1, v3  }
0xaa: {  	[tilespmem:s18], [sflag:$0x1] =	stream.indirect_vreg.gather [hbm4b:s4+s3], $0x80, v4, vm0, $0xb8;
	[tilespmem:$0x18080] =	vst v63  }
0xab: {  	_ = 	snop  }
0xac: {  	[tilespmem:s19], [sflag:$0x1] =	stream.indirect_vreg.gather [hbm4b:s5+s3], $0x80, v4, vm0, $0xb8;
	[tilespmem:$0x18080] =	vst v63  }
0xad: {  	_ = 	snop  }
0xae: {  	[tilespmem:s20], [sflag:$0x1] =	stream.indirect_vreg.gather [hbm4b:s2+s3], $0x80, v3, vm0, $0xb8;
	[tilespmem:$0x18080] =	vst v63  }
0xaf: {  	_ = 	snop  }
0xb0: {  	[tilespmem:s21], [sflag:$0x1] =	stream.indirect_vreg.gather [hbm4b:s4+s3], $0x80, v3, vm0, $0xb8;
	[tilespmem:$0x18080] =	vst v63  }
0xb1: {  	_ = 	snop  }
0xb2: {  	[tilespmem:s22], [sflag:$0x1] =	stream.indirect_vreg.gather [hbm4b:s5+s3], $0x80, v3, vm0, $0xb8;
	[tilespmem:$0x18080] =	vst v63  }
0xb3: {  	v3 =	vld [tilespmem:$0x70];
	_ =	sdelay $0x4  }
0xb4: {  	v63 =	vshrl.u32 v3, $0x3  }
0xb5: {  	v4 =	vmul.u32 $0x30, v63  }
0xb6: {  	v3 =	vand.u32 $0x7, v3  }
0xb7: {  	v3 =	vor.u32 v3, v4  }
0xb8: {  	v4 =	vperm.xlane v3, v0;
	_ =	sdelay $0x1  }
0xb9: {  	v4 =	vadd.s32 v1, v4;
	_ =	sdelay $0x3  }
0xba: {  	v3 =	vperm.xlane v3, v2  }
0xbb: {  	[tilespmem:s23], [sflag:$0x1] =	stream.indirect_vreg.gather [hbm4b:s2+s3], $0x80, v4, vm0, $0xb8;
	[tilespmem:$0x18080] =	vst v63  }
0xbc: {  	v3 =	vadd.s32 v1, v3  }
0xbd: {  	[tilespmem:s24], [sflag:$0x1] =	stream.indirect_vreg.gather [hbm4b:s4+s3], $0x80, v4, vm0, $0xb8;
	[tilespmem:$0x18080] =	vst v63  }
0xbe: {  	_ = 	snop  }
0xbf: {  	[tilespmem:s25], [sflag:$0x1] =	stream.indirect_vreg.gather [hbm4b:s5+s3], $0x80, v4, vm0, $0xb8;
	[tilespmem:$0x18080] =	vst v63  }
0xc0: {  	_ = 	snop  }
0xc1: {  	[tilespmem:s26], [sflag:$0x1] =	stream.indirect_vreg.gather [hbm4b:s2+s3], $0x80, v3, vm0, $0xb8;
	[tilespmem:$0x18080] =	vst v63  }
0xc2: {  	_ = 	snop  }
0xc3: {  	[tilespmem:s28], [sflag:$0x1] =	stream.indirect_vreg.gather [hbm4b:s4+s3], $0x80, v3, vm0, $0xb8;
	[tilespmem:$0x18080] =	vst v63  }
0xc4: {  	_ = 	snop  }
0xc5: {  	[tilespmem:s29], [sflag:$0x1] =	stream.indirect_vreg.gather [hbm4b:s5+s3], $0x80, v3, vm0, $0xb8;
	[tilespmem:$0x18080] =	vst v63  }
0xc6: {  	_ =	swait.ge [sflag:s30], $0x18000  }
0xc7: {  	p0 =	sne.s32 s1, $0x70;
	[sflag:s30] =	ssyncset.done $0x0  }
.Ltmp0:
0xc8: {  	[sflag:s30] =	ssyncadd.s32 $0xFFFE8000;
	(pc) =	sbr.rel @p0 .LBB2_2-.Ltmp0, $4  }
0xc9: {  	[hbm4b:s7+s3] =	stream.linear.scatter [tilespmem:s9], [sflag:$0x2], $0x18000, $0x38;
	[tilespmem:$0x18080] =	vst v63  }
0xca: {  	_ =	swait.ge [sflag:s8], $0x18000  }
0xcb: {  	[sflag:s8] =	ssyncset.done $0x0  }
0xcc: {  	s1 =	sadd.s32 $0x10, s1;
	s7 =	sadd.s32 $0x3000, s7;
	[sflag:s8] =	ssyncadd.s32 $0xFFFE8000  }
0xcd: {  	s0 =	sld [smem:$0x7FC];
	_ =	sdelay $0x1  }
0xce: {  	s31 =	sadd.s32 $0x1, s31  }
0xcf: {  	p0 =	sne.s32 s31, s0  }
.Ltmp1:
0xd0: {  	_ = 	snop;
	(pc) =	sbr.rel @p0 .LBB2_1-.Ltmp1, $1  }
0xd1: {  	_ =	sdelay $0x3  }
0xd2: {  	_ =	sfence.sel $0x180000  }
0xd3: {  	[bflag:$0x0] =	sbarrier.arrive $0xFFFF  }
0xd4: {  	_ =	strace $0x90000050  }
0xd5: {  	s0 =	stileid.u32;
	[bflag:$0x2] =	sbarrier.arrive $0xFFFF  }
0xd6: {  	p0 =	sne.s32 s0, $0x0;
	s0 =	rddreg [dreg:$0x2]  }
0xd7: {  	s0 =	sadd.s32 @!p0 $0x100000, s0  }
0xd8: {  	[sflag:s0] =	ssyncadd.tile.s32 @!p0 $0x1;
	_ =	shalt  }
.Lfunc_end2:
_tile_overlayer_lowered:
.L_overlay_start_2:
0xd9: {  	(tag) =	ssettag $0x2  }
0xda: {  	s0 =	rddreg [dreg:$0x0];
	s2 =	stileid.u32  }
0xdb: {  	s1 =	rddreg [dreg:$0x1];
	p0 =	sne.s32 s2, $0x0  }
0xdc: {  	s3 =	rddreg [dreg:$0x2];
	[bflag:$0x3] =	sbarrier.arrive $0xFFFF;
	s2 =	simm.s32 @!p0 $0x1C02  }
0xdd: {  	[timem:s3], [sflag:s2] =	dma.local @!p0 [hbm:s0], s1  }
0xde: {  	s0 =	simm.s32 @!p0 $0x2  }
0xdf: {  	_ =	swait.ge @!p0 [sflag:s0], s1  }
0xe0: {  	s1 =	ssub.s32 @!p0 $0x0, s1;
	[sflag:s0] =	ssyncset.done @!p0 $0x0  }
0xe1: {  	[sflag:s0] =	ssyncadd.s32 @!p0 s1  }
0xe2: {  	[bflag:$0x3] =	sbarrier.arrive $0xFFFF  }
0xe3: {  	_ =	shalt  }

// kernel: kernel.17.cloned.1.call-start
scs
__scs_entry_jumppad:
0x0: {  	(pc) =	sbr.rel $0x88, $3  }
0x1: {  	(tag) =	ssettag $0x0;
	lr =	simm.s32 $0x1  }
0x2: {  	[smem:$0x3F9A] =	sst lr;
	_ =	strace $0xD0000000  }
0x3: {  	_ = 	snop  }
0x4: {  	_ = 	snop  }
0x5: {  	_ = 	snop  }
0x6: {  	_ = 	snop  }
0x7: {  	_ = 	snop  }
__scs_overlays_trampoline_lowered:
0x8: {  	[smem:$0x3FA9] =	sst s0  }
0x9: {  	[smem:$0x3FAA] =	sst s1  }
0xa: {  	[smem:$0x3FAB] =	sst s2  }
0xb: {  	[smem:$0x3FAC] =	sst s3  }
0xc: {  	[smem:$0x3FAD] =	sst s4  }
0xd: {  	[smem:$0x3FAE] =	sst s5  }
0xe: {  	[smem:$0x3FAF] =	sst s6  }
0xf: {  	[smem:$0x3FB0] =	sst s7  }
0x10: {  	[smem:$0x3FB1] =	sst s8  }
0x11: {  	[smem:$0x3FB2] =	sst s9;
	s0 =	simm.s32 @!p0 $0x0  }
0x12: {  	s1 =	sld [smem:$0x3F98];
	s0 =	simm.s32 @p0 $0x1  }
0x13: {  	[smem:$0x3FB3] =	sst s0;
	s0 =	simm.s32 @!p1 $0x0  }
0x14: {  	s2 =	sld [smem:$0x3F97];
	s0 =	simm.s32 @p1 $0x1  }
0x15: {  	[smem:$0x3FB4] =	sst s0;
	s0 =	simm.s32 @!p2 $0x0  }
0x16: {  	s3 =	sld [smem:$0x3FDB];
	s0 =	simm.s32 @p2 $0x1  }
0x17: {  	s4 =	simm.s32 $0x1BF5;
	[smem:$0x3FB6] =	sst s0  }
0x18: {  	s0 =	sld [smem:$0x3F99];
	_ =	swait.ge [sflag:s4], $0x0  }
0x19: {  	s7 =	sld [smem:$0x3F9A]  }
0x1a: {  	s8 =	sadd.s32 $0xFFFFE003, lr  }
0x1b: {  	s9 =	sadd.s32 $0xFFFFFEF7, lr;
	s5 =	simm.s32 $0xFFFFFFFF;
	p2 =	slt.u32 s8, $0xFFFFF086  }
0x1c: {  	p1 =	slt.u32 s9, $0xF7A;
	s5 =	simm.s32 @!p2 $0x0  }
0x1d: {  	s5 =	simm.s32 @p1 $0x1;
	p0 =	seq.s32 s7, s2  }
0x1e: {  	s7 =	smul.u32 @!p0 $0xF7A, s2;
	p2 =	seq.s32 @!p0 s5, $0x0  }
0x1f: {  	s9 =	smul.u32 $0xF7A, s1;
	s8 =	simm.s32 @!p0 $0x1BF5;
	p2 =	por !p2, p0  }
0x20: {  	[sflag:s8] =	ssyncset.s32 @!p0 $0xFFFFF086;
	s6 =	sadd.s32 @!p0 s3, s7;
	s7 =	simm.s32 @!p0 $0x108  }
0x21: {  	s3 =	sadd.s32 s3, s9;
	s6 =	sadd.s32 @!p0 $0x88, s6;
	s7 =	simm.s32 @p2 $0x1082  }
0x22: {  	[simem:s7], [sflag:s8] =	dma.local @!p0 [hbm:s6], $0xF7A  }
0x23: {  	s9 =	sor.u32 $0xD0000000, s2;
	s6 =	simm.s32 $0x108;
	_ =	swait.ge @!p0 [sflag:s8], $0x0  }
0x24: {  	s3 =	sadd.s32 $0x88, s3;
	s6 =	simm.s32 @!p1 $0x1082;
	[sflag:s4] =	ssyncset.s32 $0xFFFFF086  }
0x25: {  	[simem:s6], [sflag:s4] =	dma.local [hbm:s3], $0xF7A  }
0x26: {  	[smem:$0x3F9A] =	sst s1;
	(tag) =	ssettag s2;
	_ =	strace s9  }
0x27: {  	s1 =	sld [smem:$0x3FAA]  }
0x28: {  	s2 =	sld [smem:$0x3FAB]  }
0x29: {  	s4 =	sld [smem:$0x3FAD]  }
0x2a: {  	p0 =	seq.s32 s5, $0x0;
	s5 =	sld [smem:$0x3FAE]  }
0x2b: {  	s6 =	sld [smem:$0x3FAF]  }
0x2c: {  	s7 =	sld [smem:$0x3FB0]  }
0x2d: {  	s3 =	simm.s32 $0x108;
	s8 =	sld [smem:$0x3FB1]  }
0x2e: {  	s3 =	simm.s32 @!p0 $0x1082;
	s9 =	sld [smem:$0x3FB2]  }
0x2f: {  	lr =	sadd.s32 s0, s3;
	s0 =	sld [smem:$0x3FA9]  }
0x30: {  	s3 =	sld [smem:$0x3FAC]  }
0x31: {  	[smem:$0x3FB5] =	sst s10  }
0x32: {  	s10 =	sld [smem:$0x3FB3];
	_ =	sdelay $0x3  }
0x33: {  	p0 =	seq.s32 s10, $0x1;
	s10 =	sld [smem:$0x3FB5];
	_ =	sdelay $0x3  }
0x34: {  	[smem:$0x3FB5] =	sst s10  }
0x35: {  	s10 =	sld [smem:$0x3FB4];
	_ =	sdelay $0x3  }
0x36: {  	p1 =	seq.s32 s10, $0x1;
	s10 =	sld [smem:$0x3FB5];
	_ =	sdelay $0x3  }
0x37: {  	[smem:$0x3FB5] =	sst s10  }
0x38: {  	s10 =	sld [smem:$0x3FB6]  }
0x39: {  	_ = 	snop;
	(pc) =	sbr.ind lr, $3  }
0x3a: {  	_ = 	snop  }
0x3b: {  	_ = 	snop  }
0x3c: {  	p2 =	seq.s32 s10, $0x1;
	s10 =	sld [smem:$0x3FB5]  }
0x3d: {  	_ =	shalt  }
0x3e: {  	_ =	shalt  }
0x3f: {  	_ =	shalt  }
0x40: {  	_ =	shalt  }
0x41: {  	_ =	shalt  }
0x42: {  	_ =	shalt  }
0x43: {  	_ =	shalt  }
0x44: {  	_ =	shalt  }
0x45: {  	_ =	shalt  }
0x46: {  	_ =	shalt  }
0x47: {  	_ =	shalt  }
0x48: {  	_ =	shalt  }
0x49: {  	_ =	shalt  }
0x4a: {  	_ =	shalt  }
0x4b: {  	_ =	shalt  }
0x4c: {  	_ =	shalt  }
0x4d: {  	_ =	shalt  }
0x4e: {  	_ =	shalt  }
0x4f: {  	_ =	shalt  }
0x50: {  	_ =	shalt  }
0x51: {  	_ =	shalt  }
0x52: {  	_ =	shalt  }
0x53: {  	_ =	shalt  }
0x54: {  	_ =	shalt  }
0x55: {  	_ =	shalt  }
0x56: {  	_ =	shalt  }
0x57: {  	_ =	shalt  }
0x58: {  	_ =	shalt  }
0x59: {  	_ =	shalt  }
0x5a: {  	_ =	shalt  }
0x5b: {  	_ =	shalt  }
0x5c: {  	_ =	shalt  }
0x5d: {  	_ =	shalt  }
0x5e: {  	_ =	shalt  }
0x5f: {  	_ =	shalt  }
0x60: {  	_ =	shalt  }
0x61: {  	_ =	shalt  }
0x62: {  	_ =	shalt  }
0x63: {  	_ =	shalt  }
0x64: {  	_ =	shalt  }
0x65: {  	_ =	shalt  }
0x66: {  	_ =	shalt  }
0x67: {  	_ =	shalt  }
0x68: {  	_ =	shalt  }
0x69: {  	_ =	shalt  }
0x6a: {  	_ =	shalt  }
0x6b: {  	_ =	shalt  }
0x6c: {  	_ =	shalt  }
0x6d: {  	_ =	shalt  }
0x6e: {  	_ =	shalt  }
0x6f: {  	_ =	shalt  }
0x70: {  	_ =	shalt  }
0x71: {  	_ =	shalt  }
0x72: {  	_ =	shalt  }
0x73: {  	_ =	shalt  }
0x74: {  	_ =	shalt  }
0x75: {  	_ =	shalt  }
0x76: {  	_ =	shalt  }
0x77: {  	_ =	shalt  }
0x78: {  	_ =	shalt  }
0x79: {  	_ =	shalt  }
0x7a: {  	_ =	shalt  }
0x7b: {  	_ =	shalt  }
0x7c: {  	_ =	shalt  }
0x7d: {  	_ =	shalt  }
0x7e: {  	_ =	shalt  }
0x7f: {  	_ =	shalt  }
0x80: {  	_ =	shalt  }
0x81: {  	_ =	shalt  }
0x82: {  	_ =	shalt  }
0x83: {  	_ =	shalt  }
0x84: {  	_ =	shalt  }
0x85: {  	_ =	shalt  }
0x86: {  	_ =	shalt  }
0x87: {  	_ =	shalt  }
.Lfunc_end0:
.L_simem_size_0:
called_computation.2_lowered:
.L_overlay_start_0:
0x88: {  	s2 =	sld [smem:$0x3FD9]  }
0x89: {  	s3 =	sld [smem:$0x3FFE];
	_ =	sdelay $0x1  }
0x8a: {  	s1 =	srdreg.scid  }
0x8b: {  	s0 =	sand.u32 $0x1, s1  }
0x8c: {  	s17 =	sshll.u32 s0, $0xA;
	s2 =	sadd.s32 s3, s2  }
0x8d: {  	s2 =	sadd.s32 s2, s17  }
0x8e: {  	[smem:$0x3FC1] =	sst s2  }
0x8f: {  	_ = 	snop  }
0x90: {  	s2 =	sld [smem:$0x3FC9];
	(tm) =	ssettm $0x1  }
0x91: {  	s18 =	sld [smem:$0x3FFB];
	_ =	sdelay $0x3  }
0x92: {  	_ =	strace s18  }
0x93: {  	s3 =	sld [smem:$0x3FFC];
	_ =	sdelay $0x3  }
0x94: {  	_ =	strace s3  }
0x95: {  	s3 =	sld [smem:$0x3FFD];
	_ =	sdelay $0x3  }
0x96: {  	_ =	strace s3  }
0x97: {  	_ =	strace $0x8FFFFFFF  }
0x98: {  	s19 =	sld [smem:$0x3FDB];
	_ =	sdelay $0x1  }
0x99: {  	s4 =	simm.s32 $_scs_section_size  }
0x9a: {  	s5 =	simm.s32 $_size__tile_overlayer_lowered;
	s6 =	simm.s32 $_tile_overlayer_lowered  }
0x9b: {  	s22 =	simm.s32 $0x1BFF;
	s21 =	sshll.u32 s6, $0x1;
	s3 =	sadd.s32 s4, s19  }
0x9c: {  	s7 =	simm.s32 $0x0;
	s20 =	sshll.u32 s5, $0x1;
	s5 =	sadd.s32 s21, s3  }
0x9d: {  	[timem:s7], [sflag:s22] =	dma.local [hbm:s5], s20  }
0x9e: {  	_ =	swait.ge [sflag:s22], s20  }
0x9f: {  	s4 =	ssub.s32 $0x0, s20;
	[sflag:s22] =	ssyncset.done $0x0  }
0xa0: {  	[sflag:s22] =	ssyncadd.s32 s4;
	_ =	sdelay $0x1  }
0xa1: {  	s23 =	simm.s32 $0x1B8B  }
0xa2: {  	_ =	swait.ge [sflag:s23], $0x1  }
0xa3: {  	[sflag:s23] =	ssyncset.done $0x0  }
0xa4: {  	s25 =	simm.s32 $0x1B8E;
	s24 =	sld [smem:$0x3FFE];
	[sflag:s23] =	ssyncadd.s32 $0xFFFFFFFF  }
0xa5: {  	s26 =	simm.s32 $execute0_lowered;
	[smem:$0x3FD2] =	sst s25  }
0xa6: {  	s5 =	sshll.u32 s26, $0x1;
	_ =	strace $0x80000046;
	[dreg:$0x1] =	wrdreg $0xFFFFFFFF  }
0xa7: {  	s28 =	simm.s32 $_size_execute0_lowered;
	s3 =	sadd.s32 s3, s5;
	[dreg:$0x0] =	wrdreg $0x0  }
0xa8: {  	s5 =	sshll.u32 s28, $0x1;
	[dreg:$0x2] =	wrdreg s3  }
0xa9: {  	[dreg:$0x3] =	wrdreg s5  }
0xaa: {  	[dreg:$0x4] =	wrdreg $0xC0  }
0xab: {  	_ =	task [dreg:s7], $0x5FFFF  }
0xac: {  	[dreg:$0x1] =	wrdreg $0xFFFFFFFF  }
0xad: {  	[dreg:$0x0] =	wrdreg $0x60  }
0xae: {  	[dreg:$0x2] =	wrdreg s2  }
0xaf: {  	[dreg:$0x3] =	wrdreg s24  }
0xb0: {  	[dreg:$0x4] =	wrdreg $0xA  }
0xb1: {  	_ =	task.clear_ibuf [dreg:s7], $0x5FFFF;
	_ =	strace $0x90000046  }
0xb2: {  	s29 =	simm.s32 $0xA;
	_ =	strace $0x80000048  }
0xb3: {  	_ =	swait.ge [sflag:s29], $0x1  }
0xb4: {  	[sflag:s29] =	ssyncadd.s32 $0xFFFFFFFF  }
0xb5: {  	_ =	strace $0x90000048  }
0xb6: {  	_ =	sfence  }
0xb7: {  	s30 =	sld [smem:$0x0];
	_ =	sdelay $0x2  }
0xb8: {  	s31 =	sshll.u32 s1, $0xD;
	s1 =	sshrl.u32 s1, $0x2  }
0xb9: {  	s3 =	sand.u32 $0x4000, s31;
	s1 =	sadd.s32 s1, s30  }
0xba: {  	s0 =	sor.u32 s3, s0;
	s1 =	sshll.u32 s1, $0x11  }
0xbb: {  	s0 =	sor.u32 s1, s0  }
0xbc: {  	s0 =	sadd.s32 $0x8F2B, s0  }
0xbd: {  	[sflag:s0] =	ssyncadd.remote.s32 $0x1  }
0xbe: {  	_ =	sfence.sel $0xFFFF  }
0xbf: {  	[dreg:$0x0] =	wrdreg $0xFFFFFFFF;
	(pc) =	sbr.abs _section_cstart, $3  }
0xc0: {  	[dreg:$0x1] =	wrdreg $0xFFFFFFFF  }
0xc1: {  	_ =	task.clear_ibuf [dreg:s7], $0x2FFFF;
	_ =	strace $0x9FFFFFFF  }
0xc2: {  	(tm) =	ssettm $0x7FFFFFFF  }
0xc3: {  	_ =	shalt  }
tec
execute0_lowered:
.L_overlay_start_1:
0x0: {  	(tag) =	ssettag $0x1  }
0x1: {  	s0 =	rddreg [dreg:$0x0]  }
0x2: {  	s5 =	rddreg [dreg:$0x1];
	s2 =	simm.s32 $0x0  }
0x3: {  	s20 =	simm.s32 $0x880;
	[smem:$0x7FF] =	sst s2  }
0x4: {  	s21 =	simm.s32 $0x1080;
	_ =	strace $0x80000047;
	[dreg:$0x4] =	wrdreg s20  }
0x5: {  	s22 =	simm.s32 $0x1880;
	[dreg:$0x5] =	wrdreg s21  }
0x6: {  	s23 =	simm.s32 $0x2080;
	[dreg:$0x6] =	wrdreg s22  }
0x7: {  	s24 =	simm.s32 $0x2880;
	[dreg:$0x7] =	wrdreg s23  }
0x8: {  	s25 =	simm.s32 $0x3080;
	[dreg:$0x8] =	wrdreg s24  }
0x9: {  	s26 =	simm.s32 $0x3880;
	[dreg:$0x9] =	wrdreg s25  }
0xa: {  	s6 =	simm.s32 $0x4880;
	[dreg:$0xa] =	wrdreg s26  }
0xb: {  	s7 =	simm.s32 $0x5080;
	[dreg:$0xc] =	wrdreg s6  }
0xc: {  	s8 =	stileid.u32;
	s9 =	simm.s32 $0x5880;
	[dreg:$0xd] =	wrdreg s7  }
0xd: {  	s1 =	srdreg.scid;
	s10 =	simm.s32 $0x6080;
	[dreg:$0xe] =	wrdreg s9  }
0xe: {  	s11 =	simm.s32 $0x6880;
	s12 =	simm.s32 $0x7080;
	[dreg:$0xf] =	wrdreg s10  }
0xf: {  	s13 =	simm.s32 $0x7880;
	s14 =	simm.s32 $0x8080;
	[dreg:$0x10] =	wrdreg s11  }
0x10: {  	s15 =	simm.s32 $0x8880;
	s16 =	simm.s32 $0x9080;
	[dreg:$0x11] =	wrdreg s12  }
0x11: {  	s17 =	simm.s32 $0x9880;
	s18 =	simm.s32 $0xA080;
	[dreg:$0x12] =	wrdreg s13  }
0x12: {  	s19 =	simm.s32 $0xA880;
	s28 =	simm.s32 $0x17080;
	[dreg:$0x13] =	wrdreg s14  }
0x13: {  	s29 =	simm.s32 $0x17880;
	s30 =	simm.s32 $0x1;
	[dreg:$0x14] =	wrdreg s15  }
0x14: {  	s31 =	simm.s32 $0x0;
	s3 =	sshll.u32 s8, $0x8;
	[dreg:$0x15] =	wrdreg s16  }
0x15: {  	s1 =	sand.u32 $0x1, s1;
	s8 =	smul.u32 $0x30000, s8;
	[dreg:$0x16] =	wrdreg s17  }
0x16: {  	s3 =	sadd.s32 s3, s5;
	s4 =	sshll.u32 s1, $0x7;
	[dreg:$0x17] =	wrdreg s18  }
0x17: {  	s6 =	ssub.s32 $0x2, s1;
	[dreg:$0x18] =	wrdreg s19;
	s20 =	simm.s32 $0xB080  }
0x18: {  	s21 =	simm.s32 $0xB880;
	s22 =	simm.s32 $0xC080;
	s23 =	simm.s32 $0xC880  }
0x19: {  	s1 =	smul.u32 $0x18000, s1;
	s24 =	simm.s32 $0xD080;
	s25 =	simm.s32 $0xD880  }
0x1a: {  	s26 =	simm.s32 $0xE080;
	s9 =	simm.s32 $0x80;
	s10 =	simm.s32 $0xE880  }
0x1b: {  	s11 =	simm.s32 $0xF080;
	s12 =	simm.s32 $0xF880;
	[dreg:$0x19] =	wrdreg s20  }
0x1c: {  	s13 =	simm.s32 $0x10080;
	s14 =	simm.s32 $0x10880;
	[dreg:$0x1a] =	wrdreg s21  }
0x1d: {  	s15 =	simm.s32 $0x11080;
	s16 =	simm.s32 $0x11880;
	[dreg:$0x1b] =	wrdreg s22  }
0x1e: {  	s17 =	simm.s32 $0x12080;
	s18 =	simm.s32 $0x12880;
	[dreg:$0x1c] =	wrdreg s23  }
0x1f: {  	s19 =	simm.s32 $0x13080;
	s3 =	sadd.s32 s4, s3;
	[dreg:$0x1d] =	wrdreg s24  }
0x20: {  	s4 =	simm.s32 $0x4080;
	s7 =	sshrl.u32 s6, $0x1;
	[dreg:$0x1e] =	wrdreg s25  }
0x21: {  	s0 =	sadd.s32 s8, s0;
	s8 =	simm.s32 $0x2;
	[dreg:$0x1f] =	wrdreg s26  }
0x22: {  	s20 =	simm.s32 $0x13880;
	s21 =	simm.s32 $0x14080;
	s22 =	simm.s32 $0x14880  }
0x23: {  	s23 =	simm.s32 $0x15080;
	s24 =	simm.s32 $0x15880;
	s25 =	simm.s32 $0x16080  }
0x24: {  	s26 =	simm.s32 $0x16880;
	s3 =	sadd.s32 $0x2800, s3;
	[dreg:$0xb] =	wrdreg s4  }
0x25: {  	v2 =	vlaneseq.u32;
	s6 =	ssub.s32 s6, s7;
	s0 =	sadd.s32 s1, s0;
	[dreg:$0x3] =	wrdreg s3  }
0x26: {  	vm0 =	vmmov $0xffff;
	v1 =	vshrl.u32 v2, $0x3;
	s4 =	sadd.s32 $0x5900, s5;
	s6 =	smax.u32 s6, $0x1;
	[smem:$0x7FD] =	sst s0  }
0x27: {  	v0 =	vand.u32 $0x7, v2;
	v2 =	vor.u32 $0x8, v2;
	v1 =	vmul.u32 $0x8, v1;
	s3 =	sadd.s32 $0x5800, s5;
	s5 =	sadd.s32 $0x5A00, s5;
	[smem:$0x7FC] =	sst s6  }
.LBB2_1:
0x28: {  	s7 =	sld [smem:$0x7FD];
	s1 =	simm.s32 $0x0  }
.LBB2_2:
0x29: {  	s6 =	rddreg [dreg:$0x3]  }
0x2a: {  	s6 =	sadd.s32 s1, s6  }
0x2b: {  	[tilespmem:s2], [sflag:$0x2] =	stream.linear.gather [hbm4b:s6+s2], $0x80, $0x38;
	[tilespmem:$0x18080] =	vst v63  }
0x2c: {  	_ =	swait.ge [sflag:s8], $0x80  }
0x2d: {  	[sflag:s8] =	ssyncset.done $0x0  }
0x2e: {  	[sflag:s8] =	ssyncadd.s32 $0xFFFFFF80  }
0x2f: {  	[tilespmem:s9], [sflag:$0x2] =	stream.linear.gather [hbm4b:s7+s2], $0x18000, $0x38;
	[tilespmem:$0x18080] =	vst v63  }
0x30: {  	_ =	swait.ge [sflag:s8], $0x18000  }
0x31: {  	[sflag:s8] =	ssyncset.done $0x0  }
0x32: {  	[sflag:s8] =	ssyncadd.s32 $0xFFFE8000  }
0x33: {  	v3 =	vld [tilespmem:$0x0];
	_ =	sdelay $0x4  }
0x34: {  	v4 =	vshrl.u32 v3, $0x3  }
0x35: {  	v4 =	vmul.u32 $0x30, v4  }
0x36: {  	v3 =	vand.u32 $0x7, v3  }
0x37: {  	v3 =	vor.u32 v3, v4  }
0x38: {  	v4 =	vperm.xlane v3, v0;
	_ =	sdelay $0x1  }
0x39: {  	v4 =	vadd.s32 v1, v4;
	_ =	sdelay $0x3  }
0x3a: {  	v3 =	vperm.xlane v3, v2  }
0x3b: {  	[hbm4b:s3+s2] =	stream.indirect_vreg.scatter [tilespmem:s9], [sflag:$0x1], $0x80, v4, vm0, $0xb8;
	[tilespmem:$0x18080] =	vst v63  }
0x3c: {  	s6 =	rddreg [dreg:$0x4];
	v3 =	vadd.s32 v1, v3  }
0x3d: {  	[hbm4b:s4+s2] =	stream.indirect_vreg.scatter [tilespmem:s6], [sflag:$0x1], $0x80, v4, vm0, $0xb8;
	[tilespmem:$0x18080] =	vst v63  }
0x3e: {  	s0 =	rddreg [dreg:$0x5]  }
0x3f: {  	[hbm4b:s5+s2] =	stream.indirect_vreg.scatter [tilespmem:s0], [sflag:$0x1], $0x80, v4, vm0, $0xb8;
	[tilespmem:$0x18080] =	vst v63  }
0x40: {  	s6 =	rddreg [dreg:$0x6]  }
0x41: {  	[hbm4b:s3+s2] =	stream.indirect_vreg.scatter [tilespmem:s6], [sflag:$0x1], $0x80, v3, vm0, $0xb8;
	[tilespmem:$0x18080] =	vst v63  }
0x42: {  	s0 =	rddreg [dreg:$0x7]  }
0x43: {  	[hbm4b:s4+s2] =	stream.indirect_vreg.scatter [tilespmem:s0], [sflag:$0x1], $0x80, v3, vm0, $0xb8;
	[tilespmem:$0x18080] =	vst v63  }
0x44: {  	s6 =	rddreg [dreg:$0x8]  }
0x45: {  	[hbm4b:s5+s2] =	stream.indirect_vreg.scatter [tilespmem:s6], [sflag:$0x1], $0x80, v3, vm0, $0xb8;
	[tilespmem:$0x18080] =	vst v63  }
0x46: {  	v3 =	vld [tilespmem:$0x10];
	_ =	sdelay $0x4  }
0x47: {  	v57 =	vshrl.u32 v3, $0x3  }
0x48: {  	v4 =	vmul.u32 $0x30, v57  }
0x49: {  	v3 =	vand.u32 $0x7, v3  }
0x4a: {  	v3 =	vor.u32 v3, v4  }
0x4b: {  	v4 =	vperm.xlane v3, v0;
	_ =	sdelay $0x1  }
0x4c: {  	v4 =	vadd.s32 v1, v4;
	_ =	sdelay $0x3  }
0x4d: {  	s0 =	rddreg [dreg:$0x9];
	v3 =	vperm.xlane v3, v2  }
0x4e: {  	[hbm4b:s3+s2] =	stream.indirect_vreg.scatter [tilespmem:s0], [sflag:$0x1], $0x80, v4, vm0, $0xb8;
	[tilespmem:$0x18080] =	vst v63  }
0x4f: {  	s6 =	rddreg [dreg:$0xa];
	v3 =	vadd.s32 v1, v3  }
0x50: {  	[hbm4b:s4+s2] =	stream.indirect_vreg.scatter [tilespmem:s6], [sflag:$0x1], $0x80, v4, vm0, $0xb8;
	[tilespmem:$0x18080] =	vst v63  }
0x51: {  	s0 =	rddreg [dreg:$0xb]  }
0x52: {  	[hbm4b:s5+s2] =	stream.indirect_vreg.scatter [tilespmem:s0], [sflag:$0x1], $0x80, v4, vm0, $0xb8;
	[tilespmem:$0x18080] =	vst v63  }
0x53: {  	s6 =	rddreg [dreg:$0xc]  }
0x54: {  	[hbm4b:s3+s2] =	stream.indirect_vreg.scatter [tilespmem:s6], [sflag:$0x1], $0x80, v3, vm0, $0xb8;
	[tilespmem:$0x18080] =	vst v63  }
0x55: {  	s0 =	rddreg [dreg:$0xd]  }
0x56: {  	[hbm4b:s4+s2] =	stream.indirect_vreg.scatter [tilespmem:s0], [sflag:$0x1], $0x80, v3, vm0, $0xb8;
	[tilespmem:$0x18080] =	vst v63  }
0x57: {  	s6 =	rddreg [dreg:$0xe]  }
0x58: {  	[hbm4b:s5+s2] =	stream.indirect_vreg.scatter [tilespmem:s6], [sflag:$0x1], $0x80, v3, vm0, $0xb8;
	[tilespmem:$0x18080] =	vst v63  }
0x59: {  	v3 =	vld [tilespmem:$0x20];
	_ =	sdelay $0x4  }
0x5a: {  	v58 =	vshrl.u32 v3, $0x3  }
0x5b: {  	v4 =	vmul.u32 $0x30, v58  }
0x5c: {  	v3 =	vand.u32 $0x7, v3  }
0x5d: {  	v3 =	vor.u32 v3, v4  }
0x5e: {  	v4 =	vperm.xlane v3, v0;
	_ =	sdelay $0x1  }
0x5f: {  	v4 =	vadd.s32 v1, v4;
	_ =	sdelay $0x3  }
0x60: {  	s0 =	rddreg [dreg:$0xf];
	v3 =	vperm.xlane v3, v2  }
0x61: {  	[hbm4b:s3+s2] =	stream.indirect_vreg.scatter [tilespmem:s0], [sflag:$0x1], $0x80, v4, vm0, $0xb8;
	[tilespmem:$0x18080] =	vst v63  }
0x62: {  	s6 =	rddreg [dreg:$0x10];
	v3 =	vadd.s32 v1, v3  }
0x63: {  	[hbm4b:s4+s2] =	stream.indirect_vreg.scatter [tilespmem:s6], [sflag:$0x1], $0x80, v4, vm0, $0xb8;
	[tilespmem:$0x18080] =	vst v63  }
0x64: {  	s0 =	rddreg [dreg:$0x11]  }
0x65: {  	[hbm4b:s5+s2] =	stream.indirect_vreg.scatter [tilespmem:s0], [sflag:$0x1], $0x80, v4, vm0, $0xb8;
	[tilespmem:$0x18080] =	vst v63  }
0x66: {  	s6 =	rddreg [dreg:$0x12]  }
0x67: {  	[hbm4b:s3+s2] =	stream.indirect_vreg.scatter [tilespmem:s6], [sflag:$0x1], $0x80, v3, vm0, $0xb8;
	[tilespmem:$0x18080] =	vst v63  }
0x68: {  	s0 =	rddreg [dreg:$0x13]  }
0x69: {  	[hbm4b:s4+s2] =	stream.indirect_vreg.scatter [tilespmem:s0], [sflag:$0x1], $0x80, v3, vm0, $0xb8;
	[tilespmem:$0x18080] =	vst v63  }
0x6a: {  	s6 =	rddreg [dreg:$0x14]  }
0x6b: {  	[hbm4b:s5+s2] =	stream.indirect_vreg.scatter [tilespmem:s6], [sflag:$0x1], $0x80, v3, vm0, $0xb8;
	[tilespmem:$0x18080] =	vst v63  }
0x6c: {  	v3 =	vld [tilespmem:$0x30];
	_ =	sdelay $0x4  }
0x6d: {  	v59 =	vshrl.u32 v3, $0x3  }
0x6e: {  	v4 =	vmul.u32 $0x30, v59  }
0x6f: {  	v3 =	vand.u32 $0x7, v3  }
0x70: {  	v3 =	vor.u32 v3, v4  }
0x71: {  	v4 =	vperm.xlane v3, v0;
	_ =	sdelay $0x1  }
0x72: {  	v4 =	vadd.s32 v1, v4;
	_ =	sdelay $0x3  }
0x73: {  	s0 =	rddreg [dreg:$0x15];
	v3 =	vperm.xlane v3, v2  }
0x74: {  	[hbm4b:s3+s2] =	stream.indirect_vreg.scatter [tilespmem:s0], [sflag:$0x1], $0x80, v4, vm0, $0xb8;
	[tilespmem:$0x18080] =	vst v63  }
0x75: {  	s6 =	rddreg [dreg:$0x16];
	v3 =	vadd.s32 v1, v3  }
0x76: {  	[hbm4b:s4+s2] =	stream.indirect_vreg.scatter [tilespmem:s6], [sflag:$0x1], $0x80, v4, vm0, $0xb8;
	[tilespmem:$0x18080] =	vst v63  }
0x77: {  	s0 =	rddreg [dreg:$0x17]  }
0x78: {  	[hbm4b:s5+s2] =	stream.indirect_vreg.scatter [tilespmem:s0], [sflag:$0x1], $0x80, v4, vm0, $0xb8;
	[tilespmem:$0x18080] =	vst v63  }
0x79: {  	s6 =	rddreg [dreg:$0x18]  }
0x7a: {  	[hbm4b:s3+s2] =	stream.indirect_vreg.scatter [tilespmem:s6], [sflag:$0x1], $0x80, v3, vm0, $0xb8;
	[tilespmem:$0x18080] =	vst v63  }
0x7b: {  	s0 =	rddreg [dreg:$0x19]  }
0x7c: {  	[hbm4b:s4+s2] =	stream.indirect_vreg.scatter [tilespmem:s0], [sflag:$0x1], $0x80, v3, vm0, $0xb8;
	[tilespmem:$0x18080] =	vst v63  }
0x7d: {  	s6 =	rddreg [dreg:$0x1a]  }
0x7e: {  	[hbm4b:s5+s2] =	stream.indirect_vreg.scatter [tilespmem:s6], [sflag:$0x1], $0x80, v3, vm0, $0xb8;
	[tilespmem:$0x18080] =	vst v63  }
0x7f: {  	v3 =	vld [tilespmem:$0x40];
	_ =	sdelay $0x4  }
0x80: {  	v60 =	vshrl.u32 v3, $0x3  }
0x81: {  	v4 =	vmul.u32 $0x30, v60  }
0x82: {  	v3 =	vand.u32 $0x7, v3  }
0x83: {  	v3 =	vor.u32 v3, v4  }
0x84: {  	v4 =	vperm.xlane v3, v0;
	_ =	sdelay $0x1  }
0x85: {  	v4 =	vadd.s32 v1, v4;
	_ =	sdelay $0x3  }
0x86: {  	s0 =	rddreg [dreg:$0x1b];
	v3 =	vperm.xlane v3, v2  }
0x87: {  	[hbm4b:s3+s2] =	stream.indirect_vreg.scatter [tilespmem:s0], [sflag:$0x1], $0x80, v4, vm0, $0xb8;
	[tilespmem:$0x18080] =	vst v63  }
0x88: {  	s6 =	rddreg [dreg:$0x1c];
	v3 =	vadd.s32 v1, v3  }
0x89: {  	[hbm4b:s4+s2] =	stream.indirect_vreg.scatter [tilespmem:s6], [sflag:$0x1], $0x80, v4, vm0, $0xb8;
	[tilespmem:$0x18080] =	vst v63  }
0x8a: {  	s0 =	rddreg [dreg:$0x1d]  }
0x8b: {  	[hbm4b:s5+s2] =	stream.indirect_vreg.scatter [tilespmem:s0], [sflag:$0x1], $0x80, v4, vm0, $0xb8;
	[tilespmem:$0x18080] =	vst v63  }
0x8c: {  	s6 =	rddreg [dreg:$0x1e]  }
0x8d: {  	[hbm4b:s3+s2] =	stream.indirect_vreg.scatter [tilespmem:s6], [sflag:$0x1], $0x80, v3, vm0, $0xb8;
	[tilespmem:$0x18080] =	vst v63  }
0x8e: {  	s0 =	rddreg [dreg:$0x1f]  }
0x8f: {  	[hbm4b:s4+s2] =	stream.indirect_vreg.scatter [tilespmem:s0], [sflag:$0x1], $0x80, v3, vm0, $0xb8;
	[tilespmem:$0x18080] =	vst v63  }
0x90: {  	_ = 	snop  }
0x91: {  	[hbm4b:s5+s2] =	stream.indirect_vreg.scatter [tilespmem:s10], [sflag:$0x1], $0x80, v3, vm0, $0xb8;
	[tilespmem:$0x18080] =	vst v63  }
0x92: {  	v3 =	vld [tilespmem:$0x50];
	_ =	sdelay $0x4  }
0x93: {  	v61 =	vshrl.u32 v3, $0x3  }
0x94: {  	v4 =	vmul.u32 $0x30, v61  }
0x95: {  	v3 =	vand.u32 $0x7, v3  }
0x96: {  	v3 =	vor.u32 v3, v4  }
0x97: {  	v4 =	vperm.xlane v3, v0;
	_ =	sdelay $0x1  }
0x98: {  	v4 =	vadd.s32 v1, v4;
	_ =	sdelay $0x3  }
0x99: {  	v3 =	vperm.xlane v3, v2  }
0x9a: {  	[hbm4b:s3+s2] =	stream.indirect_vreg.scatter [tilespmem:s11], [sflag:$0x1], $0x80, v4, vm0, $0xb8;
	[tilespmem:$0x18080] =	vst v63  }
0x9b: {  	v3 =	vadd.s32 v1, v3  }
0x9c: {  	[hbm4b:s4+s2] =	stream.indirect_vreg.scatter [tilespmem:s12], [sflag:$0x1], $0x80, v4, vm0, $0xb8;
	[tilespmem:$0x18080] =	vst v63  }
0x9d: {  	_ = 	snop  }
0x9e: {  	[hbm4b:s5+s2] =	stream.indirect_vreg.scatter [tilespmem:s13], [sflag:$0x1], $0x80, v4, vm0, $0xb8;
	[tilespmem:$0x18080] =	vst v63  }
0x9f: {  	_ = 	snop  }
0xa0: {  	[hbm4b:s3+s2] =	stream.indirect_vreg.scatter [tilespmem:s14], [sflag:$0x1], $0x80, v3, vm0, $0xb8;
	[tilespmem:$0x18080] =	vst v63  }
0xa1: {  	_ = 	snop  }
0xa2: {  	[hbm4b:s4+s2] =	stream.indirect_vreg.scatter [tilespmem:s15], [sflag:$0x1], $0x80, v3, vm0, $0xb8;
	[tilespmem:$0x18080] =	vst v63  }
0xa3: {  	_ = 	snop  }
0xa4: {  	[hbm4b:s5+s2] =	stream.indirect_vreg.scatter [tilespmem:s16], [sflag:$0x1], $0x80, v3, vm0, $0xb8;
	[tilespmem:$0x18080] =	vst v63  }
0xa5: {  	v3 =	vld [tilespmem:$0x60];
	_ =	sdelay $0x4  }
0xa6: {  	v62 =	vshrl.u32 v3, $0x3  }
0xa7: {  	v4 =	vmul.u32 $0x30, v62  }
0xa8: {  	v3 =	vand.u32 $0x7, v3  }
0xa9: {  	v3 =	vor.u32 v3, v4  }
0xaa: {  	v4 =	vperm.xlane v3, v0;
	_ =	sdelay $0x1  }
0xab: {  	v4 =	vadd.s32 v1, v4;
	_ =	sdelay $0x3  }
0xac: {  	v3 =	vperm.xlane v3, v2  }
0xad: {  	[hbm4b:s3+s2] =	stream.indirect_vreg.scatter [tilespmem:s17], [sflag:$0x1], $0x80, v4, vm0, $0xb8;
	[tilespmem:$0x18080] =	vst v63  }
0xae: {  	v3 =	vadd.s32 v1, v3  }
0xaf: {  	[hbm4b:s4+s2] =	stream.indirect_vreg.scatter [tilespmem:s18], [sflag:$0x1], $0x80, v4, vm0, $0xb8;
	[tilespmem:$0x18080] =	vst v63  }
0xb0: {  	_ = 	snop  }
0xb1: {  	[hbm4b:s5+s2] =	stream.indirect_vreg.scatter [tilespmem:s19], [sflag:$0x1], $0x80, v4, vm0, $0xb8;
	[tilespmem:$0x18080] =	vst v63  }
0xb2: {  	_ = 	snop  }
0xb3: {  	[hbm4b:s3+s2] =	stream.indirect_vreg.scatter [tilespmem:s20], [sflag:$0x1], $0x80, v3, vm0, $0xb8;
	[tilespmem:$0x18080] =	vst v63  }
0xb4: {  	_ = 	snop  }
0xb5: {  	[hbm4b:s4+s2] =	stream.indirect_vreg.scatter [tilespmem:s21], [sflag:$0x1], $0x80, v3, vm0, $0xb8;
	[tilespmem:$0x18080] =	vst v63  }
0xb6: {  	_ = 	snop  }
0xb7: {  	[hbm4b:s5+s2] =	stream.indirect_vreg.scatter [tilespmem:s22], [sflag:$0x1], $0x80, v3, vm0, $0xb8;
	[tilespmem:$0x18080] =	vst v63  }
0xb8: {  	v3 =	vld [tilespmem:$0x70];
	_ =	sdelay $0x4  }
0xb9: {  	v63 =	vshrl.u32 v3, $0x3  }
0xba: {  	v4 =	vmul.u32 $0x30, v63  }
0xbb: {  	v3 =	vand.u32 $0x7, v3  }
0xbc: {  	v3 =	vor.u32 v3, v4  }
0xbd: {  	v4 =	vperm.xlane v3, v0;
	_ =	sdelay $0x1  }
0xbe: {  	v4 =	vadd.s32 v1, v4;
	_ =	sdelay $0x3  }
0xbf: {  	v3 =	vperm.xlane v3, v2  }
0xc0: {  	[hbm4b:s3+s2] =	stream.indirect_vreg.scatter [tilespmem:s23], [sflag:$0x1], $0x80, v4, vm0, $0xb8;
	[tilespmem:$0x18080] =	vst v63  }
0xc1: {  	v3 =	vadd.s32 v1, v3  }
0xc2: {  	[hbm4b:s4+s2] =	stream.indirect_vreg.scatter [tilespmem:s24], [sflag:$0x1], $0x80, v4, vm0, $0xb8;
	[tilespmem:$0x18080] =	vst v63  }
0xc3: {  	_ = 	snop  }
0xc4: {  	[hbm4b:s5+s2] =	stream.indirect_vreg.scatter [tilespmem:s25], [sflag:$0x1], $0x80, v4, vm0, $0xb8;
	[tilespmem:$0x18080] =	vst v63  }
0xc5: {  	_ = 	snop  }
0xc6: {  	[hbm4b:s3+s2] =	stream.indirect_vreg.scatter [tilespmem:s26], [sflag:$0x1], $0x80, v3, vm0, $0xb8;
	[tilespmem:$0x18080] =	vst v63  }
0xc7: {  	p0 =	sne.s32 s1, $0x70  }
0xc8: {  	[hbm4b:s4+s2] =	stream.indirect_vreg.scatter [tilespmem:s28], [sflag:$0x1], $0x80, v3, vm0, $0xb8;
	[tilespmem:$0x18080] =	vst v63  }
.Ltmp0:
0xc9: {  	_ = 	snop;
	(pc) =	sbr.rel @p0 .LBB2_2-.Ltmp0, $4  }
0xca: {  	[hbm4b:s5+s2] =	stream.indirect_vreg.scatter [tilespmem:s29], [sflag:$0x1], $0x80, v3, vm0, $0xb8;
	[tilespmem:$0x18080] =	vst v63  }
0xcb: {  	_ =	swait.ge [sflag:s30], $0x18000  }
0xcc: {  	[sflag:s30] =	ssyncset.done $0x0  }
0xcd: {  	s1 =	sadd.s32 $0x10, s1;
	s7 =	sadd.s32 $0x3000, s7;
	[sflag:s30] =	ssyncadd.s32 $0xFFFE8000  }
0xce: {  	s0 =	sld [smem:$0x7FC];
	_ =	sdelay $0x1  }
0xcf: {  	s31 =	sadd.s32 $0x1, s31  }
0xd0: {  	p0 =	sne.s32 s31, s0  }
.Ltmp1:
0xd1: {  	_ = 	snop;
	(pc) =	sbr.rel @p0 .LBB2_1-.Ltmp1, $1  }
0xd2: {  	_ =	sdelay $0x3  }
0xd3: {  	_ =	sfence.sel $0x180000  }
0xd4: {  	[bflag:$0x0] =	sbarrier.arrive $0xFFFF  }
0xd5: {  	_ =	strace $0x90000047  }
0xd6: {  	s0 =	stileid.u32;
	[bflag:$0x2] =	sbarrier.arrive $0xFFFF  }
0xd7: {  	p0 =	sne.s32 s0, $0x0;
	s0 =	rddreg [dreg:$0x2]  }
0xd8: {  	s0 =	sadd.s32 @!p0 $0x100000, s0  }
0xd9: {  	[sflag:s0] =	ssyncadd.tile.s32 @!p0 $0x1;
	_ =	shalt  }
.Lfunc_end2:
_tile_overlayer_lowered:
.L_overlay_start_2:
0xda: {  	(tag) =	ssettag $0x2  }
0xdb: {  	s0 =	rddreg [dreg:$0x0];
	s2 =	stileid.u32  }
0xdc: {  	s1 =	rddreg [dreg:$0x1];
	p0 =	sne.s32 s2, $0x0  }
0xdd: {  	s3 =	rddreg [dreg:$0x2];
	[bflag:$0x3] =	sbarrier.arrive $0xFFFF;
	s2 =	simm.s32 @!p0 $0x1C02  }
0xde: {  	[timem:s3], [sflag:s2] =	dma.local @!p0 [hbm:s0], s1  }
0xdf: {  	s0 =	simm.s32 @!p0 $0x2  }
0xe0: {  	_ =	swait.ge @!p0 [sflag:s0], s1  }
0xe1: {  	s1 =	ssub.s32 @!p0 $0x0, s1;
	[sflag:s0] =	ssyncset.done @!p0 $0x0  }
0xe2: {  	[sflag:s0] =	ssyncadd.s32 @!p0 s1  }
0xe3: {  	[bflag:$0x3] =	sbarrier.arrive $0xFFFF  }
0xe4: {  	_ =	shalt  }

// kernel: kernel.20.cloned.1.call-start
scs
__scs_entry_jumppad:
0x0: {  	(pc) =	sbr.rel $0x88, $3  }
0x1: {  	(tag) =	ssettag $0x0;
	lr =	simm.s32 $0x1  }
0x2: {  	[smem:$0x3F9A] =	sst lr;
	_ =	strace $0xD0000000  }
0x3: {  	_ = 	snop  }
0x4: {  	_ = 	snop  }
0x5: {  	_ = 	snop  }
0x6: {  	_ = 	snop  }
0x7: {  	_ = 	snop  }
__scs_overlays_trampoline_lowered:
0x8: {  	[smem:$0x3FA9] =	sst s0  }
0x9: {  	[smem:$0x3FAA] =	sst s1  }
0xa: {  	[smem:$0x3FAB] =	sst s2  }
0xb: {  	[smem:$0x3FAC] =	sst s3  }
0xc: {  	[smem:$0x3FAD] =	sst s4  }
0xd: {  	[smem:$0x3FAE] =	sst s5  }
0xe: {  	[smem:$0x3FAF] =	sst s6  }
0xf: {  	[smem:$0x3FB0] =	sst s7  }
0x10: {  	[smem:$0x3FB1] =	sst s8  }
0x11: {  	[smem:$0x3FB2] =	sst s9;
	s0 =	simm.s32 @!p0 $0x0  }
0x12: {  	s1 =	sld [smem:$0x3F98];
	s0 =	simm.s32 @p0 $0x1  }
0x13: {  	[smem:$0x3FB3] =	sst s0;
	s0 =	simm.s32 @!p1 $0x0  }
0x14: {  	s2 =	sld [smem:$0x3F97];
	s0 =	simm.s32 @p1 $0x1  }
0x15: {  	[smem:$0x3FB4] =	sst s0;
	s0 =	simm.s32 @!p2 $0x0  }
0x16: {  	s3 =	sld [smem:$0x3FDB];
	s0 =	simm.s32 @p2 $0x1  }
0x17: {  	s4 =	simm.s32 $0x1BF5;
	[smem:$0x3FB6] =	sst s0  }
0x18: {  	s0 =	sld [smem:$0x3F99];
	_ =	swait.ge [sflag:s4], $0x0  }
0x19: {  	s7 =	sld [smem:$0x3F9A]  }
0x1a: {  	s8 =	sadd.s32 $0xFFFFE003, lr  }
0x1b: {  	s9 =	sadd.s32 $0xFFFFFEF7, lr;
	s5 =	simm.s32 $0xFFFFFFFF;
	p2 =	slt.u32 s8, $0xFFFFF086  }
0x1c: {  	p1 =	slt.u32 s9, $0xF7A;
	s5 =	simm.s32 @!p2 $0x0  }
0x1d: {  	s5 =	simm.s32 @p1 $0x1;
	p0 =	seq.s32 s7, s2  }
0x1e: {  	s7 =	smul.u32 @!p0 $0xF7A, s2;
	p2 =	seq.s32 @!p0 s5, $0x0  }
0x1f: {  	s9 =	smul.u32 $0xF7A, s1;
	s8 =	simm.s32 @!p0 $0x1BF5;
	p2 =	por !p2, p0  }
0x20: {  	[sflag:s8] =	ssyncset.s32 @!p0 $0xFFFFF086;
	s6 =	sadd.s32 @!p0 s3, s7;
	s7 =	simm.s32 @!p0 $0x108  }
0x21: {  	s3 =	sadd.s32 s3, s9;
	s6 =	sadd.s32 @!p0 $0x88, s6;
	s7 =	simm.s32 @p2 $0x1082  }
0x22: {  	[simem:s7], [sflag:s8] =	dma.local @!p0 [hbm:s6], $0xF7A  }
0x23: {  	s9 =	sor.u32 $0xD0000000, s2;
	s6 =	simm.s32 $0x108;
	_ =	swait.ge @!p0 [sflag:s8], $0x0  }
0x24: {  	s3 =	sadd.s32 $0x88, s3;
	s6 =	simm.s32 @!p1 $0x1082;
	[sflag:s4] =	ssyncset.s32 $0xFFFFF086  }
0x25: {  	[simem:s6], [sflag:s4] =	dma.local [hbm:s3], $0xF7A  }
0x26: {  	[smem:$0x3F9A] =	sst s1;
	(tag) =	ssettag s2;
	_ =	strace s9  }
0x27: {  	s1 =	sld [smem:$0x3FAA]  }
0x28: {  	s2 =	sld [smem:$0x3FAB]  }
0x29: {  	s4 =	sld [smem:$0x3FAD]  }
0x2a: {  	p0 =	seq.s32 s5, $0x0;
	s5 =	sld [smem:$0x3FAE]  }
0x2b: {  	s6 =	sld [smem:$0x3FAF]  }
0x2c: {  	s7 =	sld [smem:$0x3FB0]  }
0x2d: {  	s3 =	simm.s32 $0x108;
	s8 =	sld [smem:$0x3FB1]  }
0x2e: {  	s3 =	simm.s32 @!p0 $0x1082;
	s9 =	sld [smem:$0x3FB2]  }
0x2f: {  	lr =	sadd.s32 s0, s3;
	s0 =	sld [smem:$0x3FA9]  }
0x30: {  	s3 =	sld [smem:$0x3FAC]  }
0x31: {  	[smem:$0x3FB5] =	sst s10  }
0x32: {  	s10 =	sld [smem:$0x3FB3];
	_ =	sdelay $0x3  }
0x33: {  	p0 =	seq.s32 s10, $0x1;
	s10 =	sld [smem:$0x3FB5];
	_ =	sdelay $0x3  }
0x34: {  	[smem:$0x3FB5] =	sst s10  }
0x35: {  	s10 =	sld [smem:$0x3FB4];
	_ =	sdelay $0x3  }
0x36: {  	p1 =	seq.s32 s10, $0x1;
	s10 =	sld [smem:$0x3FB5];
	_ =	sdelay $0x3  }
0x37: {  	[smem:$0x3FB5] =	sst s10  }
0x38: {  	s10 =	sld [smem:$0x3FB6]  }
0x39: {  	_ = 	snop;
	(pc) =	sbr.ind lr, $3  }
0x3a: {  	_ = 	snop  }
0x3b: {  	_ = 	snop  }
0x3c: {  	p2 =	seq.s32 s10, $0x1;
	s10 =	sld [smem:$0x3FB5]  }
0x3d: {  	_ =	shalt  }
0x3e: {  	_ =	shalt  }
0x3f: {  	_ =	shalt  }
0x40: {  	_ =	shalt  }
0x41: {  	_ =	shalt  }
0x42: {  	_ =	shalt  }
0x43: {  	_ =	shalt  }
0x44: {  	_ =	shalt  }
0x45: {  	_ =	shalt  }
0x46: {  	_ =	shalt  }
0x47: {  	_ =	shalt  }
0x48: {  	_ =	shalt  }
0x49: {  	_ =	shalt  }
0x4a: {  	_ =	shalt  }
0x4b: {  	_ =	shalt  }
0x4c: {  	_ =	shalt  }
0x4d: {  	_ =	shalt  }
0x4e: {  	_ =	shalt  }
0x4f: {  	_ =	shalt  }
0x50: {  	_ =	shalt  }
0x51: {  	_ =	shalt  }
0x52: {  	_ =	shalt  }
0x53: {  	_ =	shalt  }
0x54: {  	_ =	shalt  }
0x55: {  	_ =	shalt  }
0x56: {  	_ =	shalt  }
0x57: {  	_ =	shalt  }
0x58: {  	_ =	shalt  }
0x59: {  	_ =	shalt  }
0x5a: {  	_ =	shalt  }
0x5b: {  	_ =	shalt  }
0x5c: {  	_ =	shalt  }
0x5d: {  	_ =	shalt  }
0x5e: {  	_ =	shalt  }
0x5f: {  	_ =	shalt  }
0x60: {  	_ =	shalt  }
0x61: {  	_ =	shalt  }
0x62: {  	_ =	shalt  }
0x63: {  	_ =	shalt  }
0x64: {  	_ =	shalt  }
0x65: {  	_ =	shalt  }
0x66: {  	_ =	shalt  }
0x67: {  	_ =	shalt  }
0x68: {  	_ =	shalt  }
0x69: {  	_ =	shalt  }
0x6a: {  	_ =	shalt  }
0x6b: {  	_ =	shalt  }
0x6c: {  	_ =	shalt  }
0x6d: {  	_ =	shalt  }
0x6e: {  	_ =	shalt  }
0x6f: {  	_ =	shalt  }
0x70: {  	_ =	shalt  }
0x71: {  	_ =	shalt  }
0x72: {  	_ =	shalt  }
0x73: {  	_ =	shalt  }
0x74: {  	_ =	shalt  }
0x75: {  	_ =	shalt  }
0x76: {  	_ =	shalt  }
0x77: {  	_ =	shalt  }
0x78: {  	_ =	shalt  }
0x79: {  	_ =	shalt  }
0x7a: {  	_ =	shalt  }
0x7b: {  	_ =	shalt  }
0x7c: {  	_ =	shalt  }
0x7d: {  	_ =	shalt  }
0x7e: {  	_ =	shalt  }
0x7f: {  	_ =	shalt  }
0x80: {  	_ =	shalt  }
0x81: {  	_ =	shalt  }
0x82: {  	_ =	shalt  }
0x83: {  	_ =	shalt  }
0x84: {  	_ =	shalt  }
0x85: {  	_ =	shalt  }
0x86: {  	_ =	shalt  }
0x87: {  	_ =	shalt  }
.Lfunc_end0:
.L_simem_size_0:
called_computation.3_lowered:
.L_overlay_start_0:
0x88: {  	s2 =	sld [smem:$0x3FD9]  }
0x89: {  	s3 =	sld [smem:$0x3FFE];
	_ =	sdelay $0x1  }
0x8a: {  	s1 =	srdreg.scid  }
0x8b: {  	s0 =	sand.u32 $0x1, s1  }
0x8c: {  	s17 =	sshll.u32 s0, $0xA;
	s2 =	sadd.s32 s3, s2  }
0x8d: {  	s2 =	sadd.s32 s2, s17  }
0x8e: {  	[smem:$0x3FC1] =	sst s2  }
0x8f: {  	_ = 	snop  }
0x90: {  	(tm) =	ssettm $0x1  }
0x91: {  	s18 =	sld [smem:$0x3FFB];
	_ =	sdelay $0x3  }
0x92: {  	_ =	strace s18  }
0x93: {  	s2 =	sld [smem:$0x3FFC];
	_ =	sdelay $0x3  }
0x94: {  	_ =	strace s2  }
0x95: {  	s2 =	sld [smem:$0x3FFD];
	_ =	sdelay $0x3  }
0x96: {  	_ =	strace s2  }
0x97: {  	_ =	strace $0x8FFFFFFF  }
0x98: {  	s19 =	sld [smem:$0x3FDB];
	_ =	sdelay $0x1  }
0x99: {  	s20 =	simm.s32 $_scs_section_size  }
0x9a: {  	s4 =	simm.s32 $_size__tile_overlayer_lowered;
	s5 =	simm.s32 $_tile_overlayer_lowered  }
0x9b: {  	s6 =	simm.s32 $0x1BFF;
	s21 =	sshll.u32 s5, $0x1;
	s3 =	sadd.s32 s20, s19  }
0x9c: {  	s22 =	simm.s32 $0x0;
	s4 =	sshll.u32 s4, $0x1;
	s5 =	sadd.s32 s21, s3  }
0x9d: {  	[timem:s22], [sflag:s6] =	dma.local [hbm:s5], s4  }
0x9e: {  	_ =	swait.ge [sflag:s6], s4  }
0x9f: {  	s4 =	ssub.s32 $0x0, s4;
	[sflag:s6] =	ssyncset.done $0x0  }
0xa0: {  	[sflag:s6] =	ssyncadd.s32 s4;
	_ =	sdelay $0x1  }
0xa1: {  	s23 =	simm.s32 $0x1B8B  }
0xa2: {  	_ =	swait.ge [sflag:s23], $0x1  }
0xa3: {  	[sflag:s23] =	ssyncset.done $0x0  }
0xa4: {  	[sflag:s23] =	ssyncadd.s32 $0xFFFFFFFF  }
0xa5: {  	s4 =	sld [smem:$0x0]  }
0xa6: {  	s5 =	sand.u32 $0xFFFFFFFE, s1  }
0xa7: {  	p0 =	sne.s32 s1, s5  }
0xa8: {  	s5 =	sshll.u32 @p0 s5, $0xE  }
0xa9: {  	s5 =	sadd.s32 @p0 $0x11B8D, s5;
	s6 =	sshll.u32 @p0 s4, $0x11  }
0xaa: {  	s5 =	sor.u32 @p0 s6, s5  }
0xab: {  	[sflag:s5] =	ssyncadd.remote.s32 @p0 $0x1;
	_ =	sdelay $0x1  }
0xac: {  	s5 =	simm.s32 @p0 $0x1B8D  }
0xad: {  	_ =	swait.eq @p0 [sflag:s5], $0x1  }
0xae: {  	[sflag:s5] =	ssyncadd.s32 @p0 $0xFFFFFFFF  }
0xaf: {  	s6 =	sshll.u32 @!p0 s1, $0xE  }
0xb0: {  	s6 =	sor.u32 @!p0 $0x4000, s6;
	s5 =	simm.s32 @!p0 $0x1B8D  }
0xb1: {  	s4 =	sshll.u32 @!p0 s4, $0x11;
	s6 =	sadd.s32 @!p0 $0x11B8D, s6;
	_ =	swait.eq @!p0 [sflag:s5], $0x1  }
0xb2: {  	s4 =	sor.u32 @!p0 s4, s6;
	[sflag:s5] =	ssyncadd.s32 @!p0 $0xFFFFFFFF  }
0xb3: {  	s25 =	simm.s32 $0x1B8E;
	s24 =	sld [smem:$0x3FFE];
	[sflag:s4] =	ssyncadd.remote.s32 @!p0 $0x1  }
0xb4: {  	s26 =	simm.s32 $execute0_lowered;
	[smem:$0x3FD2] =	sst s25  }
0xb5: {  	s5 =	sshll.u32 s26, $0x1;
	_ =	strace $0x8000004C;
	[dreg:$0x1] =	wrdreg $0xFFFFFFFF  }
0xb6: {  	s28 =	simm.s32 $_size_execute0_lowered;
	s3 =	sadd.s32 s3, s5;
	[dreg:$0x0] =	wrdreg $0x0  }
0xb7: {  	s5 =	sshll.u32 s28, $0x1;
	[dreg:$0x2] =	wrdreg s3  }
0xb8: {  	[dreg:$0x3] =	wrdreg s5  }
0xb9: {  	[dreg:$0x4] =	wrdreg $0xC0  }
0xba: {  	_ =	task [dreg:s22], $0x5FFFF  }
0xbb: {  	[dreg:$0x1] =	wrdreg $0xFFFFFFFF  }
0xbc: {  	[dreg:$0x0] =	wrdreg $0x60  }
0xbd: {  	[dreg:$0x2] =	wrdreg s24  }
0xbe: {  	[dreg:$0x3] =	wrdreg $0xA  }
0xbf: {  	_ =	task.clear_ibuf [dreg:s22], $0x4FFFF;
	_ =	strace $0x9000004C  }
0xc0: {  	s29 =	simm.s32 $0xA;
	_ =	strace $0x8000004E  }
0xc1: {  	_ =	swait.ge [sflag:s29], $0x1  }
0xc2: {  	[sflag:s29] =	ssyncadd.s32 $0xFFFFFFFF  }
0xc3: {  	_ =	strace $0x9000004E  }
0xc4: {  	_ =	sfence  }
0xc5: {  	s30 =	sld [smem:$0x0];
	_ =	sdelay $0x2  }
0xc6: {  	s31 =	sshll.u32 s1, $0xD;
	s1 =	sshrl.u32 s1, $0x2  }
0xc7: {  	s4 =	sand.u32 $0x4000, s31;
	s1 =	sadd.s32 s1, s30  }
0xc8: {  	s0 =	sor.u32 s4, s0;
	s1 =	sshll.u32 s1, $0x11  }
0xc9: {  	s0 =	sor.u32 s1, s0  }
0xca: {  	s0 =	sadd.s32 $0x8F2B, s0  }
0xcb: {  	[sflag:s0] =	ssyncadd.remote.s32 $0x1  }
0xcc: {  	_ =	sfence.sel $0xFFFF  }
0xcd: {  	[dreg:$0x0] =	wrdreg $0xFFFFFFFF;
	(pc) =	sbr.abs _section_cstart, $3  }
0xce: {  	[dreg:$0x1] =	wrdreg $0xFFFFFFFF  }
0xcf: {  	_ =	task.clear_ibuf [dreg:s22], $0x2FFFF;
	_ =	strace $0x9FFFFFFF  }
0xd0: {  	(tm) =	ssettm $0x7FFFFFFF  }
0xd1: {  	_ =	shalt  }
tec
execute0_lowered:
.L_overlay_start_1:
0x0: {  	(tag) =	ssettag $0x1  }
0x1: {  	s0 =	rddreg [dreg:$0x0];
	s2 =	simm.s32 $0x0  }
0x2: {  	s19 =	simm.s32 $0x880;
	[smem:$0x7FF] =	sst s2  }
0x3: {  	s20 =	simm.s32 $0x1080;
	_ =	strace $0x8000004D;
	[dreg:$0x3] =	wrdreg s19  }
0x4: {  	s21 =	simm.s32 $0x1880;
	[dreg:$0x4] =	wrdreg s20  }
0x5: {  	s22 =	simm.s32 $0x2080;
	[dreg:$0x5] =	wrdreg s21  }
0x6: {  	s23 =	simm.s32 $0x2880;
	[dreg:$0x6] =	wrdreg s22  }
0x7: {  	s24 =	simm.s32 $0x3080;
	[dreg:$0x7] =	wrdreg s23  }
0x8: {  	s25 =	simm.s32 $0x3880;
	[dreg:$0x8] =	wrdreg s24  }
0x9: {  	s26 =	simm.s32 $0x4080;
	[dreg:$0x9] =	wrdreg s25  }
0xa: {  	s5 =	stileid.u32;
	s6 =	simm.s32 $0x5080;
	[dreg:$0xa] =	wrdreg s26  }
0xb: {  	s1 =	srdreg.scid;
	s7 =	simm.s32 $0x5880;
	[dreg:$0xc] =	wrdreg s6  }
0xc: {  	s8 =	simm.s32 $0x6080;
	s9 =	simm.s32 $0x6880;
	[dreg:$0xd] =	wrdreg s7  }
0xd: {  	s10 =	simm.s32 $0x7080;
	s11 =	simm.s32 $0x7880;
	[dreg:$0xe] =	wrdreg s8  }
0xe: {  	s12 =	simm.s32 $0x8080;
	s14 =	simm.s32 $0x8880;
	[dreg:$0xf] =	wrdreg s9  }
0xf: {  	s15 =	simm.s32 $0x9080;
	s16 =	simm.s32 $0x9880;
	[dreg:$0x10] =	wrdreg s10  }
0x10: {  	s18 =	simm.s32 $0xA080;
	s28 =	simm.s32 $0x17080;
	[dreg:$0x11] =	wrdreg s11  }
0x11: {  	s29 =	simm.s32 $0x17880;
	s30 =	simm.s32 $0x1;
	[dreg:$0x12] =	wrdreg s12  }
0x12: {  	s31 =	simm.s32 $0x0;
	s3 =	sshll.u32 s5, $0x8;
	[dreg:$0x13] =	wrdreg s14  }
0x13: {  	s1 =	sand.u32 $0x1, s1;
	s13 =	smul.u32 $0x30000, s5;
	[dreg:$0x14] =	wrdreg s15  }
0x14: {  	s5 =	sadd.s32 $0x665A00, s0;
	s3 =	sadd.s32 s3, s0;
	[dreg:$0x15] =	wrdreg s16  }
0x15: {  	s4 =	sshll.u32 s1, $0x7;
	s17 =	ssub.s32 $0x2, s1;
	[dreg:$0x16] =	wrdreg s18  }
0x16: {  	s19 =	simm.s32 $0xA880;
	s20 =	simm.s32 $0xB080;
	s8 =	simm.s32 $0xB880  }
0x17: {  	s21 =	simm.s32 $0xC080;
	s1 =	smul.u32 $0x18000, s1;
	s22 =	simm.s32 $0xC880  }
0x18: {  	s23 =	simm.s32 $0xD080;
	s24 =	simm.s32 $0xD880;
	[dreg:$0x17] =	wrdreg s19  }
0x19: {  	s26 =	simm.s32 $0xE080;
	s9 =	simm.s32 $0x80;
	[dreg:$0x18] =	wrdreg s20  }
0x1a: {  	s10 =	simm.s32 $0xE880;
	s11 =	simm.s32 $0xF080;
	[dreg:$0x19] =	wrdreg s8  }
0x1b: {  	s12 =	simm.s32 $0xF880;
	s14 =	simm.s32 $0x10880;
	[dreg:$0x1a] =	wrdreg s21  }
0x1c: {  	s15 =	simm.s32 $0x11080;
	s16 =	simm.s32 $0x11880;
	[dreg:$0x1b] =	wrdreg s22  }
0x1d: {  	s18 =	simm.s32 $0x12880;
	s3 =	sadd.s32 s4, s3;
	[dreg:$0x1c] =	wrdreg s23  }
0x1e: {  	s4 =	simm.s32 $0x4880;
	s7 =	sadd.s32 s13, s0;
	[dreg:$0x1d] =	wrdreg s24  }
0x1f: {  	s6 =	sshrl.u32 s17, $0x1;
	s8 =	simm.s32 $0x2;
	[dreg:$0x1e] =	wrdreg s26  }
0x20: {  	s13 =	simm.s32 $0x10080;
	s19 =	simm.s32 $0x13080;
	s20 =	simm.s32 $0x13880  }
0x21: {  	s21 =	simm.s32 $0x14080;
	s22 =	simm.s32 $0x14880;
	s23 =	simm.s32 $0x15080  }
0x22: {  	s24 =	simm.s32 $0x15880;
	s26 =	simm.s32 $0x16880;
	s3 =	sadd.s32 $0x3800, s3  }
0x23: {  	[dreg:$0xb] =	wrdreg s4;
	s6 =	ssub.s32 s17, s6;
	s4 =	sadd.s32 $0x665900, s0  }
0x24: {  	v2 =	vlaneseq.u32;
	s1 =	sadd.s32 s1, s7;
	[dreg:$0x2] =	wrdreg s3;
	s6 =	smax.u32 s6, $0x1  }
0x25: {  	vm0 =	vmmov $0xffff;
	v1 =	vshrl.u32 v2, $0x3;
	s17 =	simm.s32 $0x12080;
	s25 =	sadd.s32 $0x5800, s1;
	[dreg:$0x1f] =	wrdreg s6  }
0x26: {  	v0 =	vand.u32 $0x7, v2;
	v2 =	vor.u32 $0x8, v2;
	v1 =	vmul.u32 $0x8, v1;
	s3 =	sadd.s32 $0x665800, s0;
	[smem:$0x7FD] =	sst s25;
	s25 =	simm.s32 $0x16080  }
.LBB2_1:
0x27: {  	s7 =	sld [smem:$0x7FD];
	s1 =	simm.s32 $0x0  }
.LBB2_2:
0x28: {  	s6 =	rddreg [dreg:$0x2]  }
0x29: {  	s6 =	sadd.s32 s1, s6  }
0x2a: {  	[tilespmem:s2], [sflag:$0x2] =	stream.linear.gather [hbm4b:s6+s2], $0x80, $0x38;
	[tilespmem:$0x18080] =	vst v63  }
0x2b: {  	_ =	swait.ge [sflag:s8], $0x80  }
0x2c: {  	[sflag:s8] =	ssyncset.done $0x0  }
0x2d: {  	[sflag:s8] =	ssyncadd.s32 $0xFFFFFF80  }
0x2e: {  	v3 =	vld [tilespmem:$0x0];
	_ =	sdelay $0x4  }
0x2f: {  	v4 =	vshrl.u32 v3, $0x3  }
0x30: {  	v4 =	vmul.u32 $0x30, v4  }
0x31: {  	v3 =	vand.u32 $0x7, v3  }
0x32: {  	v3 =	vor.u32 v3, v4  }
0x33: {  	v4 =	vperm.xlane v3, v0;
	_ =	sdelay $0x1  }
0x34: {  	v4 =	vadd.s32 v1, v4;
	_ =	sdelay $0x3  }
0x35: {  	v3 =	vperm.xlane v3, v2  }
0x36: {  	[tilespmem:s9], [sflag:$0x1] =	stream.indirect_vreg.gather [hbm4b:s3+s2], $0x80, v4, vm0, $0xb8;
	[tilespmem:$0x18080] =	vst v63  }
0x37: {  	s6 =	rddreg [dreg:$0x3];
	v3 =	vadd.s32 v1, v3  }
0x38: {  	[tilespmem:s6], [sflag:$0x1] =	stream.indirect_vreg.gather [hbm4b:s4+s2], $0x80, v4, vm0, $0xb8;
	[tilespmem:$0x18080] =	vst v63  }
0x39: {  	s0 =	rddreg [dreg:$0x4]  }
0x3a: {  	[tilespmem:s0], [sflag:$0x1] =	stream.indirect_vreg.gather [hbm4b:s5+s2], $0x80, v4, vm0, $0xb8;
	[tilespmem:$0x18080] =	vst v63  }
0x3b: {  	s6 =	rddreg [dreg:$0x5]  }
0x3c: {  	[tilespmem:s6], [sflag:$0x1] =	stream.indirect_vreg.gather [hbm4b:s3+s2], $0x80, v3, vm0, $0xb8;
	[tilespmem:$0x18080] =	vst v63  }
0x3d: {  	s0 =	rddreg [dreg:$0x6]  }
0x3e: {  	[tilespmem:s0], [sflag:$0x1] =	stream.indirect_vreg.gather [hbm4b:s4+s2], $0x80, v3, vm0, $0xb8;
	[tilespmem:$0x18080] =	vst v63  }
0x3f: {  	s6 =	rddreg [dreg:$0x7]  }
0x40: {  	[tilespmem:s6], [sflag:$0x1] =	stream.indirect_vreg.gather [hbm4b:s5+s2], $0x80, v3, vm0, $0xb8;
	[tilespmem:$0x18080] =	vst v63  }
0x41: {  	v3 =	vld [tilespmem:$0x10];
	_ =	sdelay $0x4  }
0x42: {  	v57 =	vshrl.u32 v3, $0x3  }
0x43: {  	v4 =	vmul.u32 $0x30, v57  }
0x44: {  	v3 =	vand.u32 $0x7, v3  }
0x45: {  	v3 =	vor.u32 v3, v4  }
0x46: {  	v4 =	vperm.xlane v3, v0;
	_ =	sdelay $0x1  }
0x47: {  	v4 =	vadd.s32 v1, v4;
	_ =	sdelay $0x3  }
0x48: {  	s0 =	rddreg [dreg:$0x8];
	v3 =	vperm.xlane v3, v2  }
0x49: {  	[tilespmem:s0], [sflag:$0x1] =	stream.indirect_vreg.gather [hbm4b:s3+s2], $0x80, v4, vm0, $0xb8;
	[tilespmem:$0x18080] =	vst v63  }
0x4a: {  	s6 =	rddreg [dreg:$0x9];
	v3 =	vadd.s32 v1, v3  }
0x4b: {  	[tilespmem:s6], [sflag:$0x1] =	stream.indirect_vreg.gather [hbm4b:s4+s2], $0x80, v4, vm0, $0xb8;
	[tilespmem:$0x18080] =	vst v63  }
0x4c: {  	s0 =	rddreg [dreg:$0xa]  }
0x4d: {  	[tilespmem:s0], [sflag:$0x1] =	stream.indirect_vreg.gather [hbm4b:s5+s2], $0x80, v4, vm0, $0xb8;
	[tilespmem:$0x18080] =	vst v63  }
0x4e: {  	s6 =	rddreg [dreg:$0xb]  }
0x4f: {  	[tilespmem:s6], [sflag:$0x1] =	stream.indirect_vreg.gather [hbm4b:s3+s2], $0x80, v3, vm0, $0xb8;
	[tilespmem:$0x18080] =	vst v63  }
0x50: {  	s0 =	rddreg [dreg:$0xc]  }
0x51: {  	[tilespmem:s0], [sflag:$0x1] =	stream.indirect_vreg.gather [hbm4b:s4+s2], $0x80, v3, vm0, $0xb8;
	[tilespmem:$0x18080] =	vst v63  }
0x52: {  	s6 =	rddreg [dreg:$0xd]  }
0x53: {  	[tilespmem:s6], [sflag:$0x1] =	stream.indirect_vreg.gather [hbm4b:s5+s2], $0x80, v3, vm0, $0xb8;
	[tilespmem:$0x18080] =	vst v63  }
0x54: {  	v3 =	vld [tilespmem:$0x20];
	_ =	sdelay $0x4  }
0x55: {  	v58 =	vshrl.u32 v3, $0x3  }
0x56: {  	v4 =	vmul.u32 $0x30, v58  }
0x57: {  	v3 =	vand.u32 $0x7, v3  }
0x58: {  	v3 =	vor.u32 v3, v4  }
0x59: {  	v4 =	vperm.xlane v3, v0;
	_ =	sdelay $0x1  }
0x5a: {  	v4 =	vadd.s32 v1, v4;
	_ =	sdelay $0x3  }
0x5b: {  	s0 =	rddreg [dreg:$0xe];
	v3 =	vperm.xlane v3, v2  }
0x5c: {  	[tilespmem:s0], [sflag:$0x1] =	stream.indirect_vreg.gather [hbm4b:s3+s2], $0x80, v4, vm0, $0xb8;
	[tilespmem:$0x18080] =	vst v63  }
0x5d: {  	s6 =	rddreg [dreg:$0xf];
	v3 =	vadd.s32 v1, v3  }
0x5e: {  	[tilespmem:s6], [sflag:$0x1] =	stream.indirect_vreg.gather [hbm4b:s4+s2], $0x80, v4, vm0, $0xb8;
	[tilespmem:$0x18080] =	vst v63  }
0x5f: {  	s0 =	rddreg [dreg:$0x10]  }
0x60: {  	[tilespmem:s0], [sflag:$0x1] =	stream.indirect_vreg.gather [hbm4b:s5+s2], $0x80, v4, vm0, $0xb8;
	[tilespmem:$0x18080] =	vst v63  }
0x61: {  	s6 =	rddreg [dreg:$0x11]  }
0x62: {  	[tilespmem:s6], [sflag:$0x1] =	stream.indirect_vreg.gather [hbm4b:s3+s2], $0x80, v3, vm0, $0xb8;
	[tilespmem:$0x18080] =	vst v63  }
0x63: {  	s0 =	rddreg [dreg:$0x12]  }
0x64: {  	[tilespmem:s0], [sflag:$0x1] =	stream.indirect_vreg.gather [hbm4b:s4+s2], $0x80, v3, vm0, $0xb8;
	[tilespmem:$0x18080] =	vst v63  }
0x65: {  	s6 =	rddreg [dreg:$0x13]  }
0x66: {  	[tilespmem:s6], [sflag:$0x1] =	stream.indirect_vreg.gather [hbm4b:s5+s2], $0x80, v3, vm0, $0xb8;
	[tilespmem:$0x18080] =	vst v63  }
0x67: {  	v3 =	vld [tilespmem:$0x30];
	_ =	sdelay $0x4  }
0x68: {  	v59 =	vshrl.u32 v3, $0x3  }
0x69: {  	v4 =	vmul.u32 $0x30, v59  }
0x6a: {  	v3 =	vand.u32 $0x7, v3  }
0x6b: {  	v3 =	vor.u32 v3, v4  }
0x6c: {  	v4 =	vperm.xlane v3, v0;
	_ =	sdelay $0x1  }
0x6d: {  	v4 =	vadd.s32 v1, v4;
	_ =	sdelay $0x3  }
0x6e: {  	s0 =	rddreg [dreg:$0x14];
	v3 =	vperm.xlane v3, v2  }
0x6f: {  	[tilespmem:s0], [sflag:$0x1] =	stream.indirect_vreg.gather [hbm4b:s3+s2], $0x80, v4, vm0, $0xb8;
	[tilespmem:$0x18080] =	vst v63  }
0x70: {  	s6 =	rddreg [dreg:$0x15];
	v3 =	vadd.s32 v1, v3  }
0x71: {  	[tilespmem:s6], [sflag:$0x1] =	stream.indirect_vreg.gather [hbm4b:s4+s2], $0x80, v4, vm0, $0xb8;
	[tilespmem:$0x18080] =	vst v63  }
0x72: {  	s0 =	rddreg [dreg:$0x16]  }
0x73: {  	[tilespmem:s0], [sflag:$0x1] =	stream.indirect_vreg.gather [hbm4b:s5+s2], $0x80, v4, vm0, $0xb8;
	[tilespmem:$0x18080] =	vst v63  }
0x74: {  	s6 =	rddreg [dreg:$0x17]  }
0x75: {  	[tilespmem:s6], [sflag:$0x1] =	stream.indirect_vreg.gather [hbm4b:s3+s2], $0x80, v3, vm0, $0xb8;
	[tilespmem:$0x18080] =	vst v63  }
0x76: {  	s0 =	rddreg [dreg:$0x18]  }
0x77: {  	[tilespmem:s0], [sflag:$0x1] =	stream.indirect_vreg.gather [hbm4b:s4+s2], $0x80, v3, vm0, $0xb8;
	[tilespmem:$0x18080] =	vst v63  }
0x78: {  	s6 =	rddreg [dreg:$0x19]  }
0x79: {  	[tilespmem:s6], [sflag:$0x1] =	stream.indirect_vreg.gather [hbm4b:s5+s2], $0x80, v3, vm0, $0xb8;
	[tilespmem:$0x18080] =	vst v63  }
0x7a: {  	v3 =	vld [tilespmem:$0x40];
	_ =	sdelay $0x4  }
0x7b: {  	v60 =	vshrl.u32 v3, $0x3  }
0x7c: {  	v4 =	vmul.u32 $0x30, v60  }
0x7d: {  	v3 =	vand.u32 $0x7, v3  }
0x7e: {  	v3 =	vor.u32 v3, v4  }
0x7f: {  	v4 =	vperm.xlane v3, v0;
	_ =	sdelay $0x1  }
0x80: {  	v4 =	vadd.s32 v1, v4;
	_ =	sdelay $0x3  }
0x81: {  	s0 =	rddreg [dreg:$0x1a];
	v3 =	vperm.xlane v3, v2  }
0x82: {  	[tilespmem:s0], [sflag:$0x1] =	stream.indirect_vreg.gather [hbm4b:s3+s2], $0x80, v4, vm0, $0xb8;
	[tilespmem:$0x18080] =	vst v63  }
0x83: {  	s6 =	rddreg [dreg:$0x1b];
	v3 =	vadd.s32 v1, v3  }
0x84: {  	[tilespmem:s6], [sflag:$0x1] =	stream.indirect_vreg.gather [hbm4b:s4+s2], $0x80, v4, vm0, $0xb8;
	[tilespmem:$0x18080] =	vst v63  }
0x85: {  	s0 =	rddreg [dreg:$0x1c]  }
0x86: {  	[tilespmem:s0], [sflag:$0x1] =	stream.indirect_vreg.gather [hbm4b:s5+s2], $0x80, v4, vm0, $0xb8;
	[tilespmem:$0x18080] =	vst v63  }
0x87: {  	s6 =	rddreg [dreg:$0x1d]  }
0x88: {  	[tilespmem:s6], [sflag:$0x1] =	stream.indirect_vreg.gather [hbm4b:s3+s2], $0x80, v3, vm0, $0xb8;
	[tilespmem:$0x18080] =	vst v63  }
0x89: {  	s0 =	rddreg [dreg:$0x1e]  }
0x8a: {  	[tilespmem:s0], [sflag:$0x1] =	stream.indirect_vreg.gather [hbm4b:s4+s2], $0x80, v3, vm0, $0xb8;
	[tilespmem:$0x18080] =	vst v63  }
0x8b: {  	_ = 	snop  }
0x8c: {  	[tilespmem:s10], [sflag:$0x1] =	stream.indirect_vreg.gather [hbm4b:s5+s2], $0x80, v3, vm0, $0xb8;
	[tilespmem:$0x18080] =	vst v63  }
0x8d: {  	v3 =	vld [tilespmem:$0x50];
	_ =	sdelay $0x4  }
0x8e: {  	v61 =	vshrl.u32 v3, $0x3  }
0x8f: {  	v4 =	vmul.u32 $0x30, v61  }
0x90: {  	v3 =	vand.u32 $0x7, v3  }
0x91: {  	v3 =	vor.u32 v3, v4  }
0x92: {  	v4 =	vperm.xlane v3, v0;
	_ =	sdelay $0x1  }
0x93: {  	v4 =	vadd.s32 v1, v4;
	_ =	sdelay $0x3  }
0x94: {  	v3 =	vperm.xlane v3, v2  }
0x95: {  	[tilespmem:s11], [sflag:$0x1] =	stream.indirect_vreg.gather [hbm4b:s3+s2], $0x80, v4, vm0, $0xb8;
	[tilespmem:$0x18080] =	vst v63  }
0x96: {  	v3 =	vadd.s32 v1, v3  }
0x97: {  	[tilespmem:s12], [sflag:$0x1] =	stream.indirect_vreg.gather [hbm4b:s4+s2], $0x80, v4, vm0, $0xb8;
	[tilespmem:$0x18080] =	vst v63  }
0x98: {  	_ = 	snop  }
0x99: {  	[tilespmem:s13], [sflag:$0x1] =	stream.indirect_vreg.gather [hbm4b:s5+s2], $0x80, v4, vm0, $0xb8;
	[tilespmem:$0x18080] =	vst v63  }
0x9a: {  	_ = 	snop  }
0x9b: {  	[tilespmem:s14], [sflag:$0x1] =	stream.indirect_vreg.gather [hbm4b:s3+s2], $0x80, v3, vm0, $0xb8;
	[tilespmem:$0x18080] =	vst v63  }
0x9c: {  	_ = 	snop  }
0x9d: {  	[tilespmem:s15], [sflag:$0x1] =	stream.indirect_vreg.gather [hbm4b:s4+s2], $0x80, v3, vm0, $0xb8;
	[tilespmem:$0x18080] =	vst v63  }
0x9e: {  	_ = 	snop  }
0x9f: {  	[tilespmem:s16], [sflag:$0x1] =	stream.indirect_vreg.gather [hbm4b:s5+s2], $0x80, v3, vm0, $0xb8;
	[tilespmem:$0x18080] =	vst v63  }
0xa0: {  	v3 =	vld [tilespmem:$0x60];
	_ =	sdelay $0x4  }
0xa1: {  	v62 =	vshrl.u32 v3, $0x3  }
0xa2: {  	v4 =	vmul.u32 $0x30, v62  }
0xa3: {  	v3 =	vand.u32 $0x7, v3  }
0xa4: {  	v3 =	vor.u32 v3, v4  }
0xa5: {  	v4 =	vperm.xlane v3, v0;
	_ =	sdelay $0x1  }
0xa6: {  	v4 =	vadd.s32 v1, v4;
	_ =	sdelay $0x3  }
0xa7: {  	v3 =	vperm.xlane v3, v2  }
0xa8: {  	[tilespmem:s17], [sflag:$0x1] =	stream.indirect_vreg.gather [hbm4b:s3+s2], $0x80, v4, vm0, $0xb8;
	[tilespmem:$0x18080] =	vst v63  }
0xa9: {  	v3 =	vadd.s32 v1, v3  }
0xaa: {  	[tilespmem:s18], [sflag:$0x1] =	stream.indirect_vreg.gather [hbm4b:s4+s2], $0x80, v4, vm0, $0xb8;
	[tilespmem:$0x18080] =	vst v63  }
0xab: {  	_ = 	snop  }
0xac: {  	[tilespmem:s19], [sflag:$0x1] =	stream.indirect_vreg.gather [hbm4b:s5+s2], $0x80, v4, vm0, $0xb8;
	[tilespmem:$0x18080] =	vst v63  }
0xad: {  	_ = 	snop  }
0xae: {  	[tilespmem:s20], [sflag:$0x1] =	stream.indirect_vreg.gather [hbm4b:s3+s2], $0x80, v3, vm0, $0xb8;
	[tilespmem:$0x18080] =	vst v63  }
0xaf: {  	_ = 	snop  }
0xb0: {  	[tilespmem:s21], [sflag:$0x1] =	stream.indirect_vreg.gather [hbm4b:s4+s2], $0x80, v3, vm0, $0xb8;
	[tilespmem:$0x18080] =	vst v63  }
0xb1: {  	_ = 	snop  }
0xb2: {  	[tilespmem:s22], [sflag:$0x1] =	stream.indirect_vreg.gather [hbm4b:s5+s2], $0x80, v3, vm0, $0xb8;
	[tilespmem:$0x18080] =	vst v63  }
0xb3: {  	v3 =	vld [tilespmem:$0x70];
	_ =	sdelay $0x4  }
0xb4: {  	v63 =	vshrl.u32 v3, $0x3  }
0xb5: {  	v4 =	vmul.u32 $0x30, v63  }
0xb6: {  	v3 =	vand.u32 $0x7, v3  }
0xb7: {  	v3 =	vor.u32 v3, v4  }
0xb8: {  	v4 =	vperm.xlane v3, v0;
	_ =	sdelay $0x1  }
0xb9: {  	v4 =	vadd.s32 v1, v4;
	_ =	sdelay $0x3  }
0xba: {  	v3 =	vperm.xlane v3, v2  }
0xbb: {  	[tilespmem:s23], [sflag:$0x1] =	stream.indirect_vreg.gather [hbm4b:s3+s2], $0x80, v4, vm0, $0xb8;
	[tilespmem:$0x18080] =	vst v63  }
0xbc: {  	v3 =	vadd.s32 v1, v3  }
0xbd: {  	[tilespmem:s24], [sflag:$0x1] =	stream.indirect_vreg.gather [hbm4b:s4+s2], $0x80, v4, vm0, $0xb8;
	[tilespmem:$0x18080] =	vst v63  }
0xbe: {  	_ = 	snop  }
0xbf: {  	[tilespmem:s25], [sflag:$0x1] =	stream.indirect_vreg.gather [hbm4b:s5+s2], $0x80, v4, vm0, $0xb8;
	[tilespmem:$0x18080] =	vst v63  }
0xc0: {  	_ = 	snop  }
0xc1: {  	[tilespmem:s26], [sflag:$0x1] =	stream.indirect_vreg.gather [hbm4b:s3+s2], $0x80, v3, vm0, $0xb8;
	[tilespmem:$0x18080] =	vst v63  }
0xc2: {  	_ = 	snop  }
0xc3: {  	[tilespmem:s28], [sflag:$0x1] =	stream.indirect_vreg.gather [hbm4b:s4+s2], $0x80, v3, vm0, $0xb8;
	[tilespmem:$0x18080] =	vst v63  }
0xc4: {  	_ = 	snop  }
0xc5: {  	[tilespmem:s29], [sflag:$0x1] =	stream.indirect_vreg.gather [hbm4b:s5+s2], $0x80, v3, vm0, $0xb8;
	[tilespmem:$0x18080] =	vst v63  }
0xc6: {  	_ =	swait.ge [sflag:s30], $0x18000  }
0xc7: {  	p0 =	sne.s32 s1, $0x70;
	[sflag:s30] =	ssyncset.done $0x0  }
.Ltmp0:
0xc8: {  	[sflag:s30] =	ssyncadd.s32 $0xFFFE8000;
	(pc) =	sbr.rel @p0 .LBB2_2-.Ltmp0, $4  }
0xc9: {  	[hbm4b:s7+s2] =	stream.linear.scatter [tilespmem:s9], [sflag:$0x2], $0x18000, $0x38;
	[tilespmem:$0x18080] =	vst v63  }
0xca: {  	_ =	swait.ge [sflag:s8], $0x18000  }
0xcb: {  	[sflag:s8] =	ssyncset.done $0x0  }
0xcc: {  	s1 =	sadd.s32 $0x10, s1;
	s7 =	sadd.s32 $0x3000, s7;
	[sflag:s8] =	ssyncadd.s32 $0xFFFE8000  }
0xcd: {  	s31 =	sadd.s32 $0x1, s31;
	s0 =	rddreg [dreg:$0x1f]  }
0xce: {  	p0 =	sne.s32 s31, s0  }
.Ltmp1:
0xcf: {  	_ = 	snop;
	(pc) =	sbr.rel @p0 .LBB2_1-.Ltmp1, $1  }
0xd0: {  	_ =	sdelay $0x3  }
0xd1: {  	_ =	sfence.sel $0x180000  }
0xd2: {  	[bflag:$0x0] =	sbarrier.arrive $0xFFFF  }
0xd3: {  	_ =	strace $0x9000004D  }
0xd4: {  	s0 =	stileid.u32;
	[bflag:$0x2] =	sbarrier.arrive $0xFFFF  }
0xd5: {  	p0 =	sne.s32 s0, $0x0;
	s0 =	rddreg [dreg:$0x1]  }
0xd6: {  	s0 =	sadd.s32 @!p0 $0x100000, s0  }
0xd7: {  	[sflag:s0] =	ssyncadd.tile.s32 @!p0 $0x1;
	_ =	shalt  }
.Lfunc_end2:
_tile_overlayer_lowered:
.L_overlay_start_2:
0xd8: {  	(tag) =	ssettag $0x2  }
0xd9: {  	s0 =	rddreg [dreg:$0x0];
	s2 =	stileid.u32  }
0xda: {  	s1 =	rddreg [dreg:$0x1];
	p0 =	sne.s32 s2, $0x0  }
0xdb: {  	s3 =	rddreg [dreg:$0x2];
	[bflag:$0x3] =	sbarrier.arrive $0xFFFF;
	s2 =	simm.s32 @!p0 $0x1C02  }
0xdc: {  	[timem:s3], [sflag:s2] =	dma.local @!p0 [hbm:s0], s1  }
0xdd: {  	s0 =	simm.s32 @!p0 $0x2  }
0xde: {  	_ =	swait.ge @!p0 [sflag:s0], s1  }
0xdf: {  	s1 =	ssub.s32 @!p0 $0x0, s1;
	[sflag:s0] =	ssyncset.done @!p0 $0x0  }
0xe0: {  	[sflag:s0] =	ssyncadd.s32 @!p0 s1  }
0xe1: {  	[bflag:$0x3] =	sbarrier.arrive $0xFFFF  }
0xe2: {  	_ =	shalt  }

</sc_bundles>
